<compile_context>
chip_gen: v7x
topology: tpu7x:2x2x1
jax: 0.10.2.dev20260603
libtpu: 0.0.44.dev20260713+nightly
codegen_flags: <defaults>
</compile_context>

<pallas_src>
import functools

import jax
import jax.numpy as jnp
from jax import lax
from jax.experimental import pallas as pl
from jax.experimental.pallas import tpu as pltpu
from jax.experimental.pallas import tpu_sc as plsc

N_EMB = 100000
DIM = 128
BATCH, SEQ = 4096, 50

NUM_CORES = 2
NUM_SUBCORES = 16
NW = NUM_CORES * NUM_SUBCORES
BSLAB = BATCH // NW
HALF = BSLAB // 2
NBUF = 5
NT = SEQ // NBUF

_mesh = plsc.VectorSubcoreMesh(core_axis_name="c", subcore_axis_name="s")


@functools.partial(
    pl.kernel,
    mesh=_mesh,
    out_type=jax.ShapeDtypeStruct((SEQ, BATCH, DIM), jnp.float32),
    scratch_types=[
        pltpu.VMEM((SEQ, BSLAB), jnp.int32),
        pltpu.VMEM((NBUF, BSLAB, DIM), jnp.float32),
    ] + [pltpu.SemaphoreType.DMA] * (2 * NBUF),
)
def _sc_gather(xt_hbm, table_hbm, out_hbm, idx_v, bufs, *sems):
    gsems = sems[:NBUF]
    ssems = sems[NBUF:]
    wid = lax.axis_index("s") * NUM_CORES + lax.axis_index("c")
    col0 = wid * BSLAB

    pltpu.sync_copy(xt_hbm.at[:, pl.ds(col0, BSLAB)], idx_v)

    def gathers_start(s, b):
        for h in range(2):
            pltpu.async_copy(
                table_hbm.at[idx_v.at[s, pl.ds(h * HALF, HALF)]],
                bufs.at[b, pl.ds(h * HALF, HALF)], gsems[b])

    def gathers_wait(b):
        for h in range(2):
            pltpu.make_async_copy(
                table_hbm.at[idx_v.at[0, pl.ds(0, HALF)]],
                bufs.at[b, pl.ds(h * HALF, HALF)], gsems[b]).wait()

    def store_start(s, b):
        pltpu.async_copy(
            bufs.at[b], out_hbm.at[s, pl.ds(col0, BSLAB)], ssems[b])

    def store_wait(b):
        pltpu.make_async_copy(
            bufs.at[b], out_hbm.at[0, pl.ds(col0, BSLAB)], ssems[b]).wait()

    for b in range(NBUF):
        gathers_start(b, b)

    def body(t, _):
        for b in range(NBUF):
            s = t * NBUF + b
            gathers_wait(b)
            store_start(s, b)
        for b in range(NBUF):
            s = t * NBUF + b
            store_wait(b)
            gathers_start(s + NBUF, b)
        return ()

    lax.fori_loop(0, NT - 1, body, (), unroll=False)

    for b in range(NBUF):
        s = (NT - 1) * NBUF + b
        gathers_wait(b)
        store_start(s, b)
    for b in range(NBUF):
        store_wait(b)


def kernel(x, table):
    xt = x.T.astype(jnp.int32)
    out_t = _sc_gather(xt, table)
    return jnp.transpose(out_t, (1, 0, 2))

# --- scband reference (transcript-rebuilt; emitter-appended) ---
"""Pipeline reference for scband-wmembedding-encoder-29283087024691 (READ-ONLY COPY).

The authoritative reference and input builder live on the scoring server;
editing this copy changes nothing except your own understanding.
"""

import jax, jax.numpy as jnp
import numpy as np

N_EMBEDDINGS = 100000
EMBEDDING_DIM = 128

def setup_inputs(seed: int = 0) -> dict:
    key = jax.random.key(seed)
    k1, k2 = jax.random.split(key)
    x = jax.random.randint(k1, (4096, 50), 0, N_EMBEDDINGS, dtype=jnp.int64 if jax.config.jax_enable_x64 else jnp.int32)
    table = jax.random.normal(k2, (N_EMBEDDINGS, EMBEDDING_DIM), dtype=jnp.float32)
    return {"x": x, "table": table}

def reference(x, table):
    # nn.Embedding forward: gather rows of the table by index
    return jnp.take(table, x, axis=0)

if __name__ == "__main__":
    import jax
    _d = setup_inputs()
    print(jax.jit(kernel)(*tuple(_d.values())))

</pallas_src>

<mosaic_0001>
#map = affine_map<(d0, d1) -> (0, 0)>
#map1 = affine_map<(d0, d1) -> (0, 0, 0)>
module attributes {stable_mosaic.version = 14 : i64} {
  func.func @_sc_gather(%arg0: i32, %arg1: i32, %arg2: memref<50x4096xi32, #tpu.memory_space<hbm>>, %arg3: memref<100000x128xf32, #tpu.memory_space<hbm>>, %arg4: memref<50x4096x128xf32, #tpu.memory_space<hbm>>, %arg5: memref<50x128xi32, #tpu.memory_space<vmem>>, %arg6: memref<5x128x128xf32, #tpu.memory_space<vmem>>, %arg7: memref<!tpu.dma_semaphore, #tpu.memory_space<semaphore_mem>>, %arg8: memref<!tpu.dma_semaphore, #tpu.memory_space<semaphore_mem>>, %arg9: memref<!tpu.dma_semaphore, #tpu.memory_space<semaphore_mem>>, %arg10: memref<!tpu.dma_semaphore, #tpu.memory_space<semaphore_mem>>, %arg11: memref<!tpu.dma_semaphore, #tpu.memory_space<semaphore_mem>>, %arg12: memref<!tpu.dma_semaphore, #tpu.memory_space<semaphore_mem>>, %arg13: memref<!tpu.dma_semaphore, #tpu.memory_space<semaphore_mem>>, %arg14: memref<!tpu.dma_semaphore, #tpu.memory_space<semaphore_mem>>, %arg15: memref<!tpu.dma_semaphore, #tpu.memory_space<semaphore_mem>>, %arg16: memref<!tpu.dma_semaphore, #tpu.memory_space<semaphore_mem>>) attributes {dimension_semantics = [#tpu.dimension_semantics<core_parallel>, #tpu.dimension_semantics<subcore_parallel>], iteration_bounds = array<i64: 2, 16>, scalar_prefetch = 0 : i64, scratch_operands = 12 : i64, tpu.core_type = #tpu.core_type<sc_vector_subcore>, window_params = [{transform_indices = #map}, {transform_indices = #map}, {transform_indices = #map1}]} {
    %mul3A = arith.constant 2 : i32
    %mul3A_0 = arith.muli %arg1, %mul3A : i32
    %add3A = arith.addi %mul3A_0, %arg0 : i32
    %mul3A_1 = arith.constant 128 : i32
    %mul3A_2 = arith.muli %add3A, %mul3A_1 : i32
    "tpu.region"() ({
      %run_scoped3A = tpu.sem_alloc : memref<!tpu.dma_semaphore, #tpu.memory_space<semaphore_mem>>
      %dma_start3A_405 = arith.constant 0 : i32
      %dma_start3A_406 = tpu.memref_slice %arg2[%dma_start3A_405, %mul3A_2] : memref<50x4096xi32, #tpu.memory_space<hbm>> -> memref<50x128xi32, #tpu.memory_space<hbm>>
      %dma_start3A_407 = arith.constant 0 : i32
      %dma_start3A_408 = tpu.memref_slice %arg2[%dma_start3A_407, %mul3A_2] : memref<50x4096xi32, #tpu.memory_space<hbm>> -> memref<50x128xi32, #tpu.memory_space<hbm>>
      tpu.enqueue_dma source(%dma_start3A_408 : memref<50x128xi32, #tpu.memory_space<hbm>>) target(%arg5 : memref<50x128xi32, #tpu.memory_space<vmem>>) target_semaphore(%run_scoped3A : memref<!tpu.dma_semaphore, #tpu.memory_space<semaphore_mem>>)
      %dma_wait3A_409 = arith.constant 0 : i32
      %dma_wait3A_410 = tpu.memref_slice %arg2[%dma_wait3A_409, %mul3A_2] : memref<50x4096xi32, #tpu.memory_space<hbm>> -> memref<50x128xi32, #tpu.memory_space<hbm>>
      %dma_wait3A_411 = arith.constant 0 : i32
      %dma_wait3A_412 = tpu.memref_slice %arg2[%dma_wait3A_411, %mul3A_2] : memref<50x4096xi32, #tpu.memory_space<hbm>> -> memref<50x128xi32, #tpu.memory_space<hbm>>
      tpu.wait_dma2 semaphore(%run_scoped3A : memref<!tpu.dma_semaphore, #tpu.memory_space<semaphore_mem>>) src(%dma_wait3A_412 : memref<50x128xi32, #tpu.memory_space<hbm>>) dst(%arg5 : memref<50x128xi32, #tpu.memory_space<vmem>>)
      tpu.yield
    }) : () -> ()
    %dma_start3A = arith.constant 0 : i32
    %dma_start3A_3 = arith.constant 0 : i32
    %dma_start3A_4 = arith.constant 0 : i32
    %dma_start3A_5 = arith.constant 0 : i32
    %dma_start3A_6 = tpu.memref_slice %arg6[%dma_start3A_3, %dma_start3A_4, %dma_start3A_5] : memref<5x128x128xf32, #tpu.memory_space<vmem>> -> memref<1x64x128xf32, #tpu.memory_space<vmem>>
    %dma_start3A_7 = tpu.memref_squeeze %dma_start3A_6 : memref<1x64x128xf32, #tpu.memory_space<vmem>> -> memref<64x128xf32, #tpu.memory_space<vmem>>
    %dma_start3A_8 = arith.constant 0 : i32
    %dma_start3A_9 = tpu.memref_slice %arg5[%dma_start3A, %dma_start3A_8] : memref<50x128xi32, #tpu.memory_space<vmem>> -> memref<1x64xi32, #tpu.memory_space<vmem>>
    %dma_start3A_10 = tpu.memref_squeeze %dma_start3A_9 : memref<1x64xi32, #tpu.memory_space<vmem>> -> memref<64xi32, #tpu.memory_space<vmem>>
    %dma_start3A_11 = arith.constant 0 : i32
    %dma_start3A_12 = arith.constant 0 : i32
    %dma_start3A_13 = tpu.memref_slice %arg3[%dma_start3A_11, %dma_start3A_12] : memref<100000x128xf32, #tpu.memory_space<hbm>> -> memref<100000x128xf32, #tpu.memory_space<hbm>>
    tpu.enqueue_indirect_dma source(%dma_start3A_13 : memref<100000x128xf32, #tpu.memory_space<hbm>>) target(%dma_start3A_7 : memref<64x128xf32, #tpu.memory_space<vmem>>) offsets(%dma_start3A_10 : memref<64xi32, #tpu.memory_space<vmem>>) semaphore(%arg7 : memref<!tpu.dma_semaphore, #tpu.memory_space<semaphore_mem>>)
    %dma_start3A_14 = arith.constant 0 : i32
    %dma_start3A_15 = arith.constant 0 : i32
    %dma_start3A_16 = arith.constant 64 : i32
    %dma_start3A_17 = arith.constant 0 : i32
    %dma_start3A_18 = tpu.memref_slice %arg6[%dma_start3A_15, %dma_start3A_16, %dma_start3A_17] : memref<5x128x128xf32, #tpu.memory_space<vmem>> -> memref<1x64x128xf32, #tpu.memory_space<vmem>>
    %dma_start3A_19 = tpu.memref_squeeze %dma_start3A_18 : memref<1x64x128xf32, #tpu.memory_space<vmem>> -> memref<64x128xf32, #tpu.memory_space<vmem>>
    %dma_start3A_20 = arith.constant 64 : i32
    %dma_start3A_21 = tpu.memref_slice %arg5[%dma_start3A_14, %dma_start3A_20] : memref<50x128xi32, #tpu.memory_space<vmem>> -> memref<1x64xi32, #tpu.memory_space<vmem>>
    %dma_start3A_22 = tpu.memref_squeeze %dma_start3A_21 : memref<1x64xi32, #tpu.memory_space<vmem>> -> memref<64xi32, #tpu.memory_space<vmem>>
    %dma_start3A_23 = arith.constant 0 : i32
    %dma_start3A_24 = arith.constant 0 : i32
    %dma_start3A_25 = tpu.memref_slice %arg3[%dma_start3A_23, %dma_start3A_24] : memref<100000x128xf32, #tpu.memory_space<hbm>> -> memref<100000x128xf32, #tpu.memory_space<hbm>>
    tpu.enqueue_indirect_dma source(%dma_start3A_25 : memref<100000x128xf32, #tpu.memory_space<hbm>>) target(%dma_start3A_19 : memref<64x128xf32, #tpu.memory_space<vmem>>) offsets(%dma_start3A_22 : memref<64xi32, #tpu.memory_space<vmem>>) semaphore(%arg7 : memref<!tpu.dma_semaphore, #tpu.memory_space<semaphore_mem>>)
    %dma_start3A_26 = arith.constant 1 : i32
    %dma_start3A_27 = arith.constant 1 : i32
    %dma_start3A_28 = arith.constant 0 : i32
    %dma_start3A_29 = arith.constant 0 : i32
    %dma_start3A_30 = tpu.memref_slice %arg6[%dma_start3A_27, %dma_start3A_28, %dma_start3A_29] : memref<5x128x128xf32, #tpu.memory_space<vmem>> -> memref<1x64x128xf32, #tpu.memory_space<vmem>>
    %dma_start3A_31 = tpu.memref_squeeze %dma_start3A_30 : memref<1x64x128xf32, #tpu.memory_space<vmem>> -> memref<64x128xf32, #tpu.memory_space<vmem>>
    %dma_start3A_32 = arith.constant 0 : i32
    %dma_start3A_33 = tpu.memref_slice %arg5[%dma_start3A_26, %dma_start3A_32] : memref<50x128xi32, #tpu.memory_space<vmem>> -> memref<1x64xi32, #tpu.memory_space<vmem>>
    %dma_start3A_34 = tpu.memref_squeeze %dma_start3A_33 : memref<1x64xi32, #tpu.memory_space<vmem>> -> memref<64xi32, #tpu.memory_space<vmem>>
    %dma_start3A_35 = arith.constant 0 : i32
    %dma_start3A_36 = arith.constant 0 : i32
    %dma_start3A_37 = tpu.memref_slice %arg3[%dma_start3A_35, %dma_start3A_36] : memref<100000x128xf32, #tpu.memory_space<hbm>> -> memref<100000x128xf32, #tpu.memory_space<hbm>>
    tpu.enqueue_indirect_dma source(%dma_start3A_37 : memref<100000x128xf32, #tpu.memory_space<hbm>>) target(%dma_start3A_31 : memref<64x128xf32, #tpu.memory_space<vmem>>) offsets(%dma_start3A_34 : memref<64xi32, #tpu.memory_space<vmem>>) semaphore(%arg8 : memref<!tpu.dma_semaphore, #tpu.memory_space<semaphore_mem>>)
    %dma_start3A_38 = arith.constant 1 : i32
    %dma_start3A_39 = arith.constant 1 : i32
    %dma_start3A_40 = arith.constant 64 : i32
    %dma_start3A_41 = arith.constant 0 : i32
    %dma_start3A_42 = tpu.memref_slice %arg6[%dma_start3A_39, %dma_start3A_40, %dma_start3A_41] : memref<5x128x128xf32, #tpu.memory_space<vmem>> -> memref<1x64x128xf32, #tpu.memory_space<vmem>>
    %dma_start3A_43 = tpu.memref_squeeze %dma_start3A_42 : memref<1x64x128xf32, #tpu.memory_space<vmem>> -> memref<64x128xf32, #tpu.memory_space<vmem>>
    %dma_start3A_44 = arith.constant 64 : i32
    %dma_start3A_45 = tpu.memref_slice %arg5[%dma_start3A_38, %dma_start3A_44] : memref<50x128xi32, #tpu.memory_space<vmem>> -> memref<1x64xi32, #tpu.memory_space<vmem>>
    %dma_start3A_46 = tpu.memref_squeeze %dma_start3A_45 : memref<1x64xi32, #tpu.memory_space<vmem>> -> memref<64xi32, #tpu.memory_space<vmem>>
    %dma_start3A_47 = arith.constant 0 : i32
    %dma_start3A_48 = arith.constant 0 : i32
    %dma_start3A_49 = tpu.memref_slice %arg3[%dma_start3A_47, %dma_start3A_48] : memref<100000x128xf32, #tpu.memory_space<hbm>> -> memref<100000x128xf32, #tpu.memory_space<hbm>>
    tpu.enqueue_indirect_dma source(%dma_start3A_49 : memref<100000x128xf32, #tpu.memory_space<hbm>>) target(%dma_start3A_43 : memref<64x128xf32, #tpu.memory_space<vmem>>) offsets(%dma_start3A_46 : memref<64xi32, #tpu.memory_space<vmem>>) semaphore(%arg8 : memref<!tpu.dma_semaphore, #tpu.memory_space<semaphore_mem>>)
    %dma_start3A_50 = arith.constant 2 : i32
    %dma_start3A_51 = arith.constant 2 : i32
    %dma_start3A_52 = arith.constant 0 : i32
    %dma_start3A_53 = arith.constant 0 : i32
    %dma_start3A_54 = tpu.memref_slice %arg6[%dma_start3A_51, %dma_start3A_52, %dma_start3A_53] : memref<5x128x128xf32, #tpu.memory_space<vmem>> -> memref<1x64x128xf32, #tpu.memory_space<vmem>>
    %dma_start3A_55 = tpu.memref_squeeze %dma_start3A_54 : memref<1x64x128xf32, #tpu.memory_space<vmem>> -> memref<64x128xf32, #tpu.memory_space<vmem>>
    %dma_start3A_56 = arith.constant 0 : i32
    %dma_start3A_57 = tpu.memref_slice %arg5[%dma_start3A_50, %dma_start3A_56] : memref<50x128xi32, #tpu.memory_space<vmem>> -> memref<1x64xi32, #tpu.memory_space<vmem>>
    %dma_start3A_58 = tpu.memref_squeeze %dma_start3A_57 : memref<1x64xi32, #tpu.memory_space<vmem>> -> memref<64xi32, #tpu.memory_space<vmem>>
    %dma_start3A_59 = arith.constant 0 : i32
    %dma_start3A_60 = arith.constant 0 : i32
    %dma_start3A_61 = tpu.memref_slice %arg3[%dma_start3A_59, %dma_start3A_60] : memref<100000x128xf32, #tpu.memory_space<hbm>> -> memref<100000x128xf32, #tpu.memory_space<hbm>>
    tpu.enqueue_indirect_dma source(%dma_start3A_61 : memref<100000x128xf32, #tpu.memory_space<hbm>>) target(%dma_start3A_55 : memref<64x128xf32, #tpu.memory_space<vmem>>) offsets(%dma_start3A_58 : memref<64xi32, #tpu.memory_space<vmem>>) semaphore(%arg9 : memref<!tpu.dma_semaphore, #tpu.memory_space<semaphore_mem>>)
    %dma_start3A_62 = arith.constant 2 : i32
    %dma_start3A_63 = arith.constant 2 : i32
    %dma_start3A_64 = arith.constant 64 : i32
    %dma_start3A_65 = arith.constant 0 : i32
    %dma_start3A_66 = tpu.memref_slice %arg6[%dma_start3A_63, %dma_start3A_64, %dma_start3A_65] : memref<5x128x128xf32, #tpu.memory_space<vmem>> -> memref<1x64x128xf32, #tpu.memory_space<vmem>>
    %dma_start3A_67 = tpu.memref_squeeze %dma_start3A_66 : memref<1x64x128xf32, #tpu.memory_space<vmem>> -> memref<64x128xf32, #tpu.memory_space<vmem>>
    %dma_start3A_68 = arith.constant 64 : i32
    %dma_start3A_69 = tpu.memref_slice %arg5[%dma_start3A_62, %dma_start3A_68] : memref<50x128xi32, #tpu.memory_space<vmem>> -> memref<1x64xi32, #tpu.memory_space<vmem>>
    %dma_start3A_70 = tpu.memref_squeeze %dma_start3A_69 : memref<1x64xi32, #tpu.memory_space<vmem>> -> memref<64xi32, #tpu.memory_space<vmem>>
    %dma_start3A_71 = arith.constant 0 : i32
    %dma_start3A_72 = arith.constant 0 : i32
    %dma_start3A_73 = tpu.memref_slice %arg3[%dma_start3A_71, %dma_start3A_72] : memref<100000x128xf32, #tpu.memory_space<hbm>> -> memref<100000x128xf32, #tpu.memory_space<hbm>>
    tpu.enqueue_indirect_dma source(%dma_start3A_73 : memref<100000x128xf32, #tpu.memory_space<hbm>>) target(%dma_start3A_67 : memref<64x128xf32, #tpu.memory_space<vmem>>) offsets(%dma_start3A_70 : memref<64xi32, #tpu.memory_space<vmem>>) semaphore(%arg9 : memref<!tpu.dma_semaphore, #tpu.memory_space<semaphore_mem>>)
    %dma_start3A_74 = arith.constant 3 : i32
    %dma_start3A_75 = arith.constant 3 : i32
    %dma_start3A_76 = arith.constant 0 : i32
    %dma_start3A_77 = arith.constant 0 : i32
    %dma_start3A_78 = tpu.memref_slice %arg6[%dma_start3A_75, %dma_start3A_76, %dma_start3A_77] : memref<5x128x128xf32, #tpu.memory_space<vmem>> -> memref<1x64x128xf32, #tpu.memory_space<vmem>>
    %dma_start3A_79 = tpu.memref_squeeze %dma_start3A_78 : memref<1x64x128xf32, #tpu.memory_space<vmem>> -> memref<64x128xf32, #tpu.memory_space<vmem>>
    %dma_start3A_80 = arith.constant 0 : i32
    %dma_start3A_81 = tpu.memref_slice %arg5[%dma_start3A_74, %dma_start3A_80] : memref<50x128xi32, #tpu.memory_space<vmem>> -> memref<1x64xi32, #tpu.memory_space<vmem>>
    %dma_start3A_82 = tpu.memref_squeeze %dma_start3A_81 : memref<1x64xi32, #tpu.memory_space<vmem>> -> memref<64xi32, #tpu.memory_space<vmem>>
    %dma_start3A_83 = arith.constant 0 : i32
    %dma_start3A_84 = arith.constant 0 : i32
    %dma_start3A_85 = tpu.memref_slice %arg3[%dma_start3A_83, %dma_start3A_84] : memref<100000x128xf32, #tpu.memory_space<hbm>> -> memref<100000x128xf32, #tpu.memory_space<hbm>>
    tpu.enqueue_indirect_dma source(%dma_start3A_85 : memref<100000x128xf32, #tpu.memory_space<hbm>>) target(%dma_start3A_79 : memref<64x128xf32, #tpu.memory_space<vmem>>) offsets(%dma_start3A_82 : memref<64xi32, #tpu.memory_space<vmem>>) semaphore(%arg10 : memref<!tpu.dma_semaphore, #tpu.memory_space<semaphore_mem>>)
    %dma_start3A_86 = arith.constant 3 : i32
    %dma_start3A_87 = arith.constant 3 : i32
    %dma_start3A_88 = arith.constant 64 : i32
    %dma_start3A_89 = arith.constant 0 : i32
    %dma_start3A_90 = tpu.memref_slice %arg6[%dma_start3A_87, %dma_start3A_88, %dma_start3A_89] : memref<5x128x128xf32, #tpu.memory_space<vmem>> -> memref<1x64x128xf32, #tpu.memory_space<vmem>>
    %dma_start3A_91 = tpu.memref_squeeze %dma_start3A_90 : memref<1x64x128xf32, #tpu.memory_space<vmem>> -> memref<64x128xf32, #tpu.memory_space<vmem>>
    %dma_start3A_92 = arith.constant 64 : i32
    %dma_start3A_93 = tpu.memref_slice %arg5[%dma_start3A_86, %dma_start3A_92] : memref<50x128xi32, #tpu.memory_space<vmem>> -> memref<1x64xi32, #tpu.memory_space<vmem>>
    %dma_start3A_94 = tpu.memref_squeeze %dma_start3A_93 : memref<1x64xi32, #tpu.memory_space<vmem>> -> memref<64xi32, #tpu.memory_space<vmem>>
    %dma_start3A_95 = arith.constant 0 : i32
    %dma_start3A_96 = arith.constant 0 : i32
    %dma_start3A_97 = tpu.memref_slice %arg3[%dma_start3A_95, %dma_start3A_96] : memref<100000x128xf32, #tpu.memory_space<hbm>> -> memref<100000x128xf32, #tpu.memory_space<hbm>>
    tpu.enqueue_indirect_dma source(%dma_start3A_97 : memref<100000x128xf32, #tpu.memory_space<hbm>>) target(%dma_start3A_91 : memref<64x128xf32, #tpu.memory_space<vmem>>) offsets(%dma_start3A_94 : memref<64xi32, #tpu.memory_space<vmem>>) semaphore(%arg10 : memref<!tpu.dma_semaphore, #tpu.memory_space<semaphore_mem>>)
    %dma_start3A_98 = arith.constant 4 : i32
    %dma_start3A_99 = arith.constant 4 : i32
    %dma_start3A_100 = arith.constant 0 : i32
    %dma_start3A_101 = arith.constant 0 : i32
    %dma_start3A_102 = tpu.memref_slice %arg6[%dma_start3A_99, %dma_start3A_100, %dma_start3A_101] : memref<5x128x128xf32, #tpu.memory_space<vmem>> -> memref<1x64x128xf32, #tpu.memory_space<vmem>>
    %dma_start3A_103 = tpu.memref_squeeze %dma_start3A_102 : memref<1x64x128xf32, #tpu.memory_space<vmem>> -> memref<64x128xf32, #tpu.memory_space<vmem>>
    %dma_start3A_104 = arith.constant 0 : i32
    %dma_start3A_105 = tpu.memref_slice %arg5[%dma_start3A_98, %dma_start3A_104] : memref<50x128xi32, #tpu.memory_space<vmem>> -> memref<1x64xi32, #tpu.memory_space<vmem>>
    %dma_start3A_106 = tpu.memref_squeeze %dma_start3A_105 : memref<1x64xi32, #tpu.memory_space<vmem>> -> memref<64xi32, #tpu.memory_space<vmem>>
    %dma_start3A_107 = arith.constant 0 : i32
    %dma_start3A_108 = arith.constant 0 : i32
    %dma_start3A_109 = tpu.memref_slice %arg3[%dma_start3A_107, %dma_start3A_108] : memref<100000x128xf32, #tpu.memory_space<hbm>> -> memref<100000x128xf32, #tpu.memory_space<hbm>>
    tpu.enqueue_indirect_dma source(%dma_start3A_109 : memref<100000x128xf32, #tpu.memory_space<hbm>>) target(%dma_start3A_103 : memref<64x128xf32, #tpu.memory_space<vmem>>) offsets(%dma_start3A_106 : memref<64xi32, #tpu.memory_space<vmem>>) semaphore(%arg11 : memref<!tpu.dma_semaphore, #tpu.memory_space<semaphore_mem>>)
    %dma_start3A_110 = arith.constant 4 : i32
    %dma_start3A_111 = arith.constant 4 : i32
    %dma_start3A_112 = arith.constant 64 : i32
    %dma_start3A_113 = arith.constant 0 : i32
    %dma_start3A_114 = tpu.memref_slice %arg6[%dma_start3A_111, %dma_start3A_112, %dma_start3A_113] : memref<5x128x128xf32, #tpu.memory_space<vmem>> -> memref<1x64x128xf32, #tpu.memory_space<vmem>>
    %dma_start3A_115 = tpu.memref_squeeze %dma_start3A_114 : memref<1x64x128xf32, #tpu.memory_space<vmem>> -> memref<64x128xf32, #tpu.memory_space<vmem>>
    %dma_start3A_116 = arith.constant 64 : i32
    %dma_start3A_117 = tpu.memref_slice %arg5[%dma_start3A_110, %dma_start3A_116] : memref<50x128xi32, #tpu.memory_space<vmem>> -> memref<1x64xi32, #tpu.memory_space<vmem>>
    %dma_start3A_118 = tpu.memref_squeeze %dma_start3A_117 : memref<1x64xi32, #tpu.memory_space<vmem>> -> memref<64xi32, #tpu.memory_space<vmem>>
    %dma_start3A_119 = arith.constant 0 : i32
    %dma_start3A_120 = arith.constant 0 : i32
    %dma_start3A_121 = tpu.memref_slice %arg3[%dma_start3A_119, %dma_start3A_120] : memref<100000x128xf32, #tpu.memory_space<hbm>> -> memref<100000x128xf32, #tpu.memory_space<hbm>>
    tpu.enqueue_indirect_dma source(%dma_start3A_121 : memref<100000x128xf32, #tpu.memory_space<hbm>>) target(%dma_start3A_115 : memref<64x128xf32, #tpu.memory_space<vmem>>) offsets(%dma_start3A_118 : memref<64xi32, #tpu.memory_space<vmem>>) semaphore(%arg11 : memref<!tpu.dma_semaphore, #tpu.memory_space<semaphore_mem>>)
    %scan3A = arith.constant 0 : i32
    %scan3A_122 = arith.constant 9 : i32
    %scan3A_123 = arith.addi %scan3A, %scan3A_122 : i32
    %scan3A_124 = arith.constant 1 : i32
    scf.for %scan3A_405 = %scan3A to %scan3A_123 step %scan3A_124  : i32 {
      %mul3A_406 = arith.constant 5 : i32
      %mul3A_407 = arith.muli %scan3A_405, %mul3A_406 : i32
      %add3A_408 = arith.constant 0 : i32
      %add3A_409 = arith.addi %mul3A_407, %add3A_408 : i32
      %dma_wait3A_410 = arith.constant 0 : i32
      %dma_wait3A_411 = arith.constant 0 : i32
      %dma_wait3A_412 = arith.constant 0 : i32
      %dma_wait3A_413 = arith.constant 0 : i32
      %dma_wait3A_414 = tpu.memref_slice %arg6[%dma_wait3A_411, %dma_wait3A_412, %dma_wait3A_413] : memref<5x128x128xf32, #tpu.memory_space<vmem>> -> memref<1x64x128xf32, #tpu.memory_space<vmem>>
      %dma_wait3A_415 = tpu.memref_squeeze %dma_wait3A_414 : memref<1x64x128xf32, #tpu.memory_space<vmem>> -> memref<64x128xf32, #tpu.memory_space<vmem>>
      %dma_wait3A_416 = arith.constant 0 : i32
      %dma_wait3A_417 = tpu.memref_slice %arg5[%dma_wait3A_410, %dma_wait3A_416] : memref<50x128xi32, #tpu.memory_space<vmem>> -> memref<1x64xi32, #tpu.memory_space<vmem>>
      %dma_wait3A_418 = tpu.memref_squeeze %dma_wait3A_417 : memref<1x64xi32, #tpu.memory_space<vmem>> -> memref<64xi32, #tpu.memory_space<vmem>>
      %dma_wait3A_419 = arith.constant 0 : i32
      %dma_wait3A_420 = arith.constant 0 : i32
      %dma_wait3A_421 = tpu.memref_slice %arg3[%dma_wait3A_419, %dma_wait3A_420] : memref<100000x128xf32, #tpu.memory_space<hbm>> -> memref<100000x128xf32, #tpu.memory_space<hbm>>
      tpu.wait_indirect_dma semaphore(%arg7 : memref<!tpu.dma_semaphore, #tpu.memory_space<semaphore_mem>>) src(%dma_wait3A_421 : memref<100000x128xf32, #tpu.memory_space<hbm>>) dst(%dma_wait3A_415 : memref<64x128xf32, #tpu.memory_space<vmem>>)
      %dma_wait3A_422 = arith.constant 0 : i32
      %dma_wait3A_423 = arith.constant 0 : i32
      %dma_wait3A_424 = arith.constant 64 : i32
      %dma_wait3A_425 = arith.constant 0 : i32
      %dma_wait3A_426 = tpu.memref_slice %arg6[%dma_wait3A_423, %dma_wait3A_424, %dma_wait3A_425] : memref<5x128x128xf32, #tpu.memory_space<vmem>> -> memref<1x64x128xf32, #tpu.memory_space<vmem>>
      %dma_wait3A_427 = tpu.memref_squeeze %dma_wait3A_426 : memref<1x64x128xf32, #tpu.memory_space<vmem>> -> memref<64x128xf32, #tpu.memory_space<vmem>>
      %dma_wait3A_428 = arith.constant 0 : i32
      %dma_wait3A_429 = tpu.memref_slice %arg5[%dma_wait3A_422, %dma_wait3A_428] : memref<50x128xi32, #tpu.memory_space<vmem>> -> memref<1x64xi32, #tpu.memory_space<vmem>>
      %dma_wait3A_430 = tpu.memref_squeeze %dma_wait3A_429 : memref<1x64xi32, #tpu.memory_space<vmem>> -> memref<64xi32, #tpu.memory_space<vmem>>
      %dma_wait3A_431 = arith.constant 0 : i32
      %dma_wait3A_432 = arith.constant 0 : i32
      %dma_wait3A_433 = tpu.memref_slice %arg3[%dma_wait3A_431, %dma_wait3A_432] : memref<100000x128xf32, #tpu.memory_space<hbm>> -> memref<100000x128xf32, #tpu.memory_space<hbm>>
      tpu.wait_indirect_dma semaphore(%arg7 : memref<!tpu.dma_semaphore, #tpu.memory_space<semaphore_mem>>) src(%dma_wait3A_433 : memref<100000x128xf32, #tpu.memory_space<hbm>>) dst(%dma_wait3A_427 : memref<64x128xf32, #tpu.memory_space<vmem>>)
      %dma_start3A_434 = arith.constant 0 : i32
      %dma_start3A_435 = arith.constant 0 : i32
      %dma_start3A_436 = arith.constant 0 : i32
      %dma_start3A_437 = tpu.memref_slice %arg6[%dma_start3A_434, %dma_start3A_435, %dma_start3A_436] : memref<5x128x128xf32, #tpu.memory_space<vmem>> -> memref<1x128x128xf32, #tpu.memory_space<vmem>>
      %dma_start3A_438 = tpu.memref_squeeze %dma_start3A_437 : memref<1x128x128xf32, #tpu.memory_space<vmem>> -> memref<128x128xf32, #tpu.memory_space<vmem>>
      %dma_start3A_439 = arith.constant 0 : i32
      %dma_start3A_440 = tpu.memref_slice %arg4[%add3A_409, %mul3A_2, %dma_start3A_439] : memref<50x4096x128xf32, #tpu.memory_space<hbm>> -> memref<1x128x128xf32, #tpu.memory_space<hbm>>
      %dma_start3A_441 = tpu.memref_squeeze %dma_start3A_440 : memref<1x128x128xf32, #tpu.memory_space<hbm>> -> memref<128x128xf32, #tpu.memory_space<hbm>>
      %dma_start3A_442 = arith.constant 0 : i32
      %dma_start3A_443 = tpu.memref_slice %arg4[%add3A_409, %mul3A_2, %dma_start3A_442] : memref<50x4096x128xf32, #tpu.memory_space<hbm>> -> memref<1x128x128xf32, #tpu.memory_space<hbm>>
      %dma_start3A_444 = tpu.memref_squeeze %dma_start3A_443 : memref<1x128x128xf32, #tpu.memory_space<hbm>> -> memref<128x128xf32, #tpu.memory_space<hbm>>
      %dma_start3A_445 = arith.constant 0 : i32
      %dma_start3A_446 = arith.constant 0 : i32
      %dma_start3A_447 = tpu.memref_slice %arg6[%dma_start3A_434, %dma_start3A_445, %dma_start3A_446] : memref<5x128x128xf32, #tpu.memory_space<vmem>> -> memref<1x128x128xf32, #tpu.memory_space<vmem>>
      %dma_start3A_448 = tpu.memref_squeeze %dma_start3A_447 : memref<1x128x128xf32, #tpu.memory_space<vmem>> -> memref<128x128xf32, #tpu.memory_space<vmem>>
      tpu.enqueue_dma source(%dma_start3A_448 : memref<128x128xf32, #tpu.memory_space<vmem>>) target(%dma_start3A_444 : memref<128x128xf32, #tpu.memory_space<hbm>>) target_semaphore(%arg12 : memref<!tpu.dma_semaphore, #tpu.memory_space<semaphore_mem>>)
      %mul3A_449 = arith.constant 5 : i32
      %mul3A_450 = arith.muli %scan3A_405, %mul3A_449 : i32
      %add3A_451 = arith.constant 1 : i32
      %add3A_452 = arith.addi %mul3A_450, %add3A_451 : i32
      %dma_wait3A_453 = arith.constant 0 : i32
      %dma_wait3A_454 = arith.constant 1 : i32
      %dma_wait3A_455 = arith.constant 0 : i32
      %dma_wait3A_456 = arith.constant 0 : i32
      %dma_wait3A_457 = tpu.memref_slice %arg6[%dma_wait3A_454, %dma_wait3A_455, %dma_wait3A_456] : memref<5x128x128xf32, #tpu.memory_space<vmem>> -> memref<1x64x128xf32, #tpu.memory_space<vmem>>
      %dma_wait3A_458 = tpu.memref_squeeze %dma_wait3A_457 : memref<1x64x128xf32, #tpu.memory_space<vmem>> -> memref<64x128xf32, #tpu.memory_space<vmem>>
      %dma_wait3A_459 = arith.constant 0 : i32
      %dma_wait3A_460 = tpu.memref_slice %arg5[%dma_wait3A_453, %dma_wait3A_459] : memref<50x128xi32, #tpu.memory_space<vmem>> -> memref<1x64xi32, #tpu.memory_space<vmem>>
      %dma_wait3A_461 = tpu.memref_squeeze %dma_wait3A_460 : memref<1x64xi32, #tpu.memory_space<vmem>> -> memref<64xi32, #tpu.memory_space<vmem>>
      %dma_wait3A_462 = arith.constant 0 : i32
      %dma_wait3A_463 = arith.constant 0 : i32
      %dma_wait3A_464 = tpu.memref_slice %arg3[%dma_wait3A_462, %dma_wait3A_463] : memref<100000x128xf32, #tpu.memory_space<hbm>> -> memref<100000x128xf32, #tpu.memory_space<hbm>>
      tpu.wait_indirect_dma semaphore(%arg8 : memref<!tpu.dma_semaphore, #tpu.memory_space<semaphore_mem>>) src(%dma_wait3A_464 : memref<100000x128xf32, #tpu.memory_space<hbm>>) dst(%dma_wait3A_458 : memref<64x128xf32, #tpu.memory_space<vmem>>)
      %dma_wait3A_465 = arith.constant 0 : i32
      %dma_wait3A_466 = arith.constant 1 : i32
      %dma_wait3A_467 = arith.constant 64 : i32
      %dma_wait3A_468 = arith.constant 0 : i32
      %dma_wait3A_469 = tpu.memref_slice %arg6[%dma_wait3A_466, %dma_wait3A_467, %dma_wait3A_468] : memref<5x128x128xf32, #tpu.memory_space<vmem>> -> memref<1x64x128xf32, #tpu.memory_space<vmem>>
      %dma_wait3A_470 = tpu.memref_squeeze %dma_wait3A_469 : memref<1x64x128xf32, #tpu.memory_space<vmem>> -> memref<64x128xf32, #tpu.memory_space<vmem>>
      %dma_wait3A_471 = arith.constant 0 : i32
      %dma_wait3A_472 = tpu.memref_slice %arg5[%dma_wait3A_465, %dma_wait3A_471] : memref<50x128xi32, #tpu.memory_space<vmem>> -> memref<1x64xi32, #tpu.memory_space<vmem>>
      %dma_wait3A_473 = tpu.memref_squeeze %dma_wait3A_472 : memref<1x64xi32, #tpu.memory_space<vmem>> -> memref<64xi32, #tpu.memory_space<vmem>>
      %dma_wait3A_474 = arith.constant 0 : i32
      %dma_wait3A_475 = arith.constant 0 : i32
      %dma_wait3A_476 = tpu.memref_slice %arg3[%dma_wait3A_474, %dma_wait3A_475] : memref<100000x128xf32, #tpu.memory_space<hbm>> -> memref<100000x128xf32, #tpu.memory_space<hbm>>
      tpu.wait_indirect_dma semaphore(%arg8 : memref<!tpu.dma_semaphore, #tpu.memory_space<semaphore_mem>>) src(%dma_wait3A_476 : memref<100000x128xf32, #tpu.memory_space<hbm>>) dst(%dma_wait3A_470 : memref<64x128xf32, #tpu.memory_space<vmem>>)
      %dma_start3A_477 = arith.constant 1 : i32
      %dma_start3A_478 = arith.constant 0 : i32
      %dma_start3A_479 = arith.constant 0 : i32
      %dma_start3A_480 = tpu.memref_slice %arg6[%dma_start3A_477, %dma_start3A_478, %dma_start3A_479] : memref<5x128x128xf32, #tpu.memory_space<vmem>> -> memref<1x128x128xf32, #tpu.memory_space<vmem>>
      %dma_start3A_481 = tpu.memref_squeeze %dma_start3A_480 : memref<1x128x128xf32, #tpu.memory_space<vmem>> -> memref<128x128xf32, #tpu.memory_space<vmem>>
      %dma_start3A_482 = arith.constant 0 : i32
      %dma_start3A_483 = tpu.memref_slice %arg4[%add3A_452, %mul3A_2, %dma_start3A_482] : memref<50x4096x128xf32, #tpu.memory_space<hbm>> -> memref<1x128x128xf32, #tpu.memory_space<hbm>>
      %dma_start3A_484 = tpu.memref_squeeze %dma_start3A_483 : memref<1x128x128xf32, #tpu.memory_space<hbm>> -> memref<128x128xf32, #tpu.memory_space<hbm>>
      %dma_start3A_485 = arith.constant 0 : i32
      %dma_start3A_486 = tpu.memref_slice %arg4[%add3A_452, %mul3A_2, %dma_start3A_485] : memref<50x4096x128xf32, #tpu.memory_space<hbm>> -> memref<1x128x128xf32, #tpu.memory_space<hbm>>
      %dma_start3A_487 = tpu.memref_squeeze %dma_start3A_486 : memref<1x128x128xf32, #tpu.memory_space<hbm>> -> memref<128x128xf32, #tpu.memory_space<hbm>>
      %dma_start3A_488 = arith.constant 0 : i32
      %dma_start3A_489 = arith.constant 0 : i32
      %dma_start3A_490 = tpu.memref_slice %arg6[%dma_start3A_477, %dma_start3A_488, %dma_start3A_489] : memref<5x128x128xf32, #tpu.memory_space<vmem>> -> memref<1x128x128xf32, #tpu.memory_space<vmem>>
      %dma_start3A_491 = tpu.memref_squeeze %dma_start3A_490 : memref<1x128x128xf32, #tpu.memory_space<vmem>> -> memref<128x128xf32, #tpu.memory_space<vmem>>
      tpu.enqueue_dma source(%dma_start3A_491 : memref<128x128xf32, #tpu.memory_space<vmem>>) target(%dma_start3A_487 : memref<128x128xf32, #tpu.memory_space<hbm>>) target_semaphore(%arg13 : memref<!tpu.dma_semaphore, #tpu.memory_space<semaphore_mem>>)
      %mul3A_492 = arith.constant 5 : i32
      %mul3A_493 = arith.muli %scan3A_405, %mul3A_492 : i32
      %add3A_494 = arith.constant 2 : i32
      %add3A_495 = arith.addi %mul3A_493, %add3A_494 : i32
      %dma_wait3A_496 = arith.constant 0 : i32
      %dma_wait3A_497 = arith.constant 2 : i32
      %dma_wait3A_498 = arith.constant 0 : i32
      %dma_wait3A_499 = arith.constant 0 : i32
      %dma_wait3A_500 = tpu.memref_slice %arg6[%dma_wait3A_497, %dma_wait3A_498, %dma_wait3A_499] : memref<5x128x128xf32, #tpu.memory_space<vmem>> -> memref<1x64x128xf32, #tpu.memory_space<vmem>>
      %dma_wait3A_501 = tpu.memref_squeeze %dma_wait3A_500 : memref<1x64x128xf32, #tpu.memory_space<vmem>> -> memref<64x128xf32, #tpu.memory_space<vmem>>
      %dma_wait3A_502 = arith.constant 0 : i32
      %dma_wait3A_503 = tpu.memref_slice %arg5[%dma_wait3A_496, %dma_wait3A_502] : memref<50x128xi32, #tpu.memory_space<vmem>> -> memref<1x64xi32, #tpu.memory_space<vmem>>
      %dma_wait3A_504 = tpu.memref_squeeze %dma_wait3A_503 : memref<1x64xi32, #tpu.memory_space<vmem>> -> memref<64xi32, #tpu.memory_space<vmem>>
      %dma_wait3A_505 = arith.constant 0 : i32
      %dma_wait3A_506 = arith.constant 0 : i32
      %dma_wait3A_507 = tpu.memref_slice %arg3[%dma_wait3A_505, %dma_wait3A_506] : memref<100000x128xf32, #tpu.memory_space<hbm>> -> memref<100000x128xf32, #tpu.memory_space<hbm>>
      tpu.wait_indirect_dma semaphore(%arg9 : memref<!tpu.dma_semaphore, #tpu.memory_space<semaphore_mem>>) src(%dma_wait3A_507 : memref<100000x128xf32, #tpu.memory_space<hbm>>) dst(%dma_wait3A_501 : memref<64x128xf32, #tpu.memory_space<vmem>>)
      %dma_wait3A_508 = arith.constant 0 : i32
      %dma_wait3A_509 = arith.constant 2 : i32
      %dma_wait3A_510 = arith.constant 64 : i32
      %dma_wait3A_511 = arith.constant 0 : i32
      %dma_wait3A_512 = tpu.memref_slice %arg6[%dma_wait3A_509, %dma_wait3A_510, %dma_wait3A_511] : memref<5x128x128xf32, #tpu.memory_space<vmem>> -> memref<1x64x128xf32, #tpu.memory_space<vmem>>
      %dma_wait3A_513 = tpu.memref_squeeze %dma_wait3A_512 : memref<1x64x128xf32, #tpu.memory_space<vmem>> -> memref<64x128xf32, #tpu.memory_space<vmem>>
      %dma_wait3A_514 = arith.constant 0 : i32
      %dma_wait3A_515 = tpu.memref_slice %arg5[%dma_wait3A_508, %dma_wait3A_514] : memref<50x128xi32, #tpu.memory_space<vmem>> -> memref<1x64xi32, #tpu.memory_space<vmem>>
      %dma_wait3A_516 = tpu.memref_squeeze %dma_wait3A_515 : memref<1x64xi32, #tpu.memory_space<vmem>> -> memref<64xi32, #tpu.memory_space<vmem>>
      %dma_wait3A_517 = arith.constant 0 : i32
      %dma_wait3A_518 = arith.constant 0 : i32
      %dma_wait3A_519 = tpu.memref_slice %arg3[%dma_wait3A_517, %dma_wait3A_518] : memref<100000x128xf32, #tpu.memory_space<hbm>> -> memref<100000x128xf32, #tpu.memory_space<hbm>>
      tpu.wait_indirect_dma semaphore(%arg9 : memref<!tpu.dma_semaphore, #tpu.memory_space<semaphore_mem>>) src(%dma_wait3A_519 : memref<100000x128xf32, #tpu.memory_space<hbm>>) dst(%dma_wait3A_513 : memref<64x128xf32, #tpu.memory_space<vmem>>)
      %dma_start3A_520 = arith.constant 2 : i32
      %dma_start3A_521 = arith.constant 0 : i32
      %dma_start3A_522 = arith.constant 0 : i32
      %dma_start3A_523 = tpu.memref_slice %arg6[%dma_start3A_520, %dma_start3A_521, %dma_start3A_522] : memref<5x128x128xf32, #tpu.memory_space<vmem>> -> memref<1x128x128xf32, #tpu.memory_space<vmem>>
      %dma_start3A_524 = tpu.memref_squeeze %dma_start3A_523 : memref<1x128x128xf32, #tpu.memory_space<vmem>> -> memref<128x128xf32, #tpu.memory_space<vmem>>
      %dma_start3A_525 = arith.constant 0 : i32
      %dma_start3A_526 = tpu.memref_slice %arg4[%add3A_495, %mul3A_2, %dma_start3A_525] : memref<50x4096x128xf32, #tpu.memory_space<hbm>> -> memref<1x128x128xf32, #tpu.memory_space<hbm>>
      %dma_start3A_527 = tpu.memref_squeeze %dma_start3A_526 : memref<1x128x128xf32, #tpu.memory_space<hbm>> -> memref<128x128xf32, #tpu.memory_space<hbm>>
      %dma_start3A_528 = arith.constant 0 : i32
      %dma_start3A_529 = tpu.memref_slice %arg4[%add3A_495, %mul3A_2, %dma_start3A_528] : memref<50x4096x128xf32, #tpu.memory_space<hbm>> -> memref<1x128x128xf32, #tpu.memory_space<hbm>>
      %dma_start3A_530 = tpu.memref_squeeze %dma_start3A_529 : memref<1x128x128xf32, #tpu.memory_space<hbm>> -> memref<128x128xf32, #tpu.memory_space<hbm>>
      %dma_start3A_531 = arith.constant 0 : i32
      %dma_start3A_532 = arith.constant 0 : i32
      %dma_start3A_533 = tpu.memref_slice %arg6[%dma_start3A_520, %dma_start3A_531, %dma_start3A_532] : memref<5x128x128xf32, #tpu.memory_space<vmem>> -> memref<1x128x128xf32, #tpu.memory_space<vmem>>
      %dma_start3A_534 = tpu.memref_squeeze %dma_start3A_533 : memref<1x128x128xf32, #tpu.memory_space<vmem>> -> memref<128x128xf32, #tpu.memory_space<vmem>>
      tpu.enqueue_dma source(%dma_start3A_534 : memref<128x128xf32, #tpu.memory_space<vmem>>) target(%dma_start3A_530 : memref<128x128xf32, #tpu.memory_space<hbm>>) target_semaphore(%arg14 : memref<!tpu.dma_semaphore, #tpu.memory_space<semaphore_mem>>)
      %mul3A_535 = arith.constant 5 : i32
      %mul3A_536 = arith.muli %scan3A_405, %mul3A_535 : i32
      %add3A_537 = arith.constant 3 : i32
      %add3A_538 = arith.addi %mul3A_536, %add3A_537 : i32
      %dma_wait3A_539 = arith.constant 0 : i32
      %dma_wait3A_540 = arith.constant 3 : i32
      %dma_wait3A_541 = arith.constant 0 : i32
      %dma_wait3A_542 = arith.constant 0 : i32
      %dma_wait3A_543 = tpu.memref_slice %arg6[%dma_wait3A_540, %dma_wait3A_541, %dma_wait3A_542] : memref<5x128x128xf32, #tpu.memory_space<vmem>> -> memref<1x64x128xf32, #tpu.memory_space<vmem>>
      %dma_wait3A_544 = tpu.memref_squeeze %dma_wait3A_543 : memref<1x64x128xf32, #tpu.memory_space<vmem>> -> memref<64x128xf32, #tpu.memory_space<vmem>>
      %dma_wait3A_545 = arith.constant 0 : i32
      %dma_wait3A_546 = tpu.memref_slice %arg5[%dma_wait3A_539, %dma_wait3A_545] : memref<50x128xi32, #tpu.memory_space<vmem>> -> memref<1x64xi32, #tpu.memory_space<vmem>>
      %dma_wait3A_547 = tpu.memref_squeeze %dma_wait3A_546 : memref<1x64xi32, #tpu.memory_space<vmem>> -> memref<64xi32, #tpu.memory_space<vmem>>
      %dma_wait3A_548 = arith.constant 0 : i32
      %dma_wait3A_549 = arith.constant 0 : i32
      %dma_wait3A_550 = tpu.memref_slice %arg3[%dma_wait3A_548, %dma_wait3A_549] : memref<100000x128xf32, #tpu.memory_space<hbm>> -> memref<100000x128xf32, #tpu.memory_space<hbm>>
      tpu.wait_indirect_dma semaphore(%arg10 : memref<!tpu.dma_semaphore, #tpu.memory_space<semaphore_mem>>) src(%dma_wait3A_550 : memref<100000x128xf32, #tpu.memory_space<hbm>>) dst(%dma_wait3A_544 : memref<64x128xf32, #tpu.memory_space<vmem>>)
      %dma_wait3A_551 = arith.constant 0 : i32
      %dma_wait3A_552 = arith.constant 3 : i32
      %dma_wait3A_553 = arith.constant 64 : i32
      %dma_wait3A_554 = arith.constant 0 : i32
      %dma_wait3A_555 = tpu.memref_slice %arg6[%dma_wait3A_552, %dma_wait3A_553, %dma_wait3A_554] : memref<5x128x128xf32, #tpu.memory_space<vmem>> -> memref<1x64x128xf32, #tpu.memory_space<vmem>>
      %dma_wait3A_556 = tpu.memref_squeeze %dma_wait3A_555 : memref<1x64x128xf32, #tpu.memory_space<vmem>> -> memref<64x128xf32, #tpu.memory_space<vmem>>
      %dma_wait3A_557 = arith.constant 0 : i32
      %dma_wait3A_558 = tpu.memref_slice %arg5[%dma_wait3A_551, %dma_wait3A_557] : memref<50x128xi32, #tpu.memory_space<vmem>> -> memref<1x64xi32, #tpu.memory_space<vmem>>
      %dma_wait3A_559 = tpu.memref_squeeze %dma_wait3A_558 : memref<1x64xi32, #tpu.memory_space<vmem>> -> memref<64xi32, #tpu.memory_space<vmem>>
      %dma_wait3A_560 = arith.constant 0 : i32
      %dma_wait3A_561 = arith.constant 0 : i32
      %dma_wait3A_562 = tpu.memref_slice %arg3[%dma_wait3A_560, %dma_wait3A_561] : memref<100000x128xf32, #tpu.memory_space<hbm>> -> memref<100000x128xf32, #tpu.memory_space<hbm>>
      tpu.wait_indirect_dma semaphore(%arg10 : memref<!tpu.dma_semaphore, #tpu.memory_space<semaphore_mem>>) src(%dma_wait3A_562 : memref<100000x128xf32, #tpu.memory_space<hbm>>) dst(%dma_wait3A_556 : memref<64x128xf32, #tpu.memory_space<vmem>>)
      %dma_start3A_563 = arith.constant 3 : i32
      %dma_start3A_564 = arith.constant 0 : i32
      %dma_start3A_565 = arith.constant 0 : i32
      %dma_start3A_566 = tpu.memref_slice %arg6[%dma_start3A_563, %dma_start3A_564, %dma_start3A_565] : memref<5x128x128xf32, #tpu.memory_space<vmem>> -> memref<1x128x128xf32, #tpu.memory_space<vmem>>
      %dma_start3A_567 = tpu.memref_squeeze %dma_start3A_566 : memref<1x128x128xf32, #tpu.memory_space<vmem>> -> memref<128x128xf32, #tpu.memory_space<vmem>>
      %dma_start3A_568 = arith.constant 0 : i32
      %dma_start3A_569 = tpu.memref_slice %arg4[%add3A_538, %mul3A_2, %dma_start3A_568] : memref<50x4096x128xf32, #tpu.memory_space<hbm>> -> memref<1x128x128xf32, #tpu.memory_space<hbm>>
      %dma_start3A_570 = tpu.memref_squeeze %dma_start3A_569 : memref<1x128x128xf32, #tpu.memory_space<hbm>> -> memref<128x128xf32, #tpu.memory_space<hbm>>
      %dma_start3A_571 = arith.constant 0 : i32
      %dma_start3A_572 = tpu.memref_slice %arg4[%add3A_538, %mul3A_2, %dma_start3A_571] : memref<50x4096x128xf32, #tpu.memory_space<hbm>> -> memref<1x128x128xf32, #tpu.memory_space<hbm>>
      %dma_start3A_573 = tpu.memref_squeeze %dma_start3A_572 : memref<1x128x128xf32, #tpu.memory_space<hbm>> -> memref<128x128xf32, #tpu.memory_space<hbm>>
      %dma_start3A_574 = arith.constant 0 : i32
      %dma_start3A_575 = arith.constant 0 : i32
      %dma_start3A_576 = tpu.memref_slice %arg6[%dma_start3A_563, %dma_start3A_574, %dma_start3A_575] : memref<5x128x128xf32, #tpu.memory_space<vmem>> -> memref<1x128x128xf32, #tpu.memory_space<vmem>>
      %dma_start3A_577 = tpu.memref_squeeze %dma_start3A_576 : memref<1x128x128xf32, #tpu.memory_space<vmem>> -> memref<128x128xf32, #tpu.memory_space<vmem>>
      tpu.enqueue_dma source(%dma_start3A_577 : memref<128x128xf32, #tpu.memory_space<vmem>>) target(%dma_start3A_573 : memref<128x128xf32, #tpu.memory_space<hbm>>) target_semaphore(%arg15 : memref<!tpu.dma_semaphore, #tpu.memory_space<semaphore_mem>>)
      %mul3A_578 = arith.constant 5 : i32
      %mul3A_579 = arith.muli %scan3A_405, %mul3A_578 : i32
      %add3A_580 = arith.constant 4 : i32
      %add3A_581 = arith.addi %mul3A_579, %add3A_580 : i32
      %dma_wait3A_582 = arith.constant 0 : i32
      %dma_wait3A_583 = arith.constant 4 : i32
      %dma_wait3A_584 = arith.constant 0 : i32
      %dma_wait3A_585 = arith.constant 0 : i32
      %dma_wait3A_586 = tpu.memref_slice %arg6[%dma_wait3A_583, %dma_wait3A_584, %dma_wait3A_585] : memref<5x128x128xf32, #tpu.memory_space<vmem>> -> memref<1x64x128xf32, #tpu.memory_space<vmem>>
      %dma_wait3A_587 = tpu.memref_squeeze %dma_wait3A_586 : memref<1x64x128xf32, #tpu.memory_space<vmem>> -> memref<64x128xf32, #tpu.memory_space<vmem>>
      %dma_wait3A_588 = arith.constant 0 : i32
      %dma_wait3A_589 = tpu.memref_slice %arg5[%dma_wait3A_582, %dma_wait3A_588] : memref<50x128xi32, #tpu.memory_space<vmem>> -> memref<1x64xi32, #tpu.memory_space<vmem>>
      %dma_wait3A_590 = tpu.memref_squeeze %dma_wait3A_589 : memref<1x64xi32, #tpu.memory_space<vmem>> -> memref<64xi32, #tpu.memory_space<vmem>>
      %dma_wait3A_591 = arith.constant 0 : i32
      %dma_wait3A_592 = arith.constant 0 : i32
      %dma_wait3A_593 = tpu.memref_slice %arg3[%dma_wait3A_591, %dma_wait3A_592] : memref<100000x128xf32, #tpu.memory_space<hbm>> -> memref<100000x128xf32, #tpu.memory_space<hbm>>
      tpu.wait_indirect_dma semaphore(%arg11 : memref<!tpu.dma_semaphore, #tpu.memory_space<semaphore_mem>>) src(%dma_wait3A_593 : memref<100000x128xf32, #tpu.memory_space<hbm>>) dst(%dma_wait3A_587 : memref<64x128xf32, #tpu.memory_space<vmem>>)
      %dma_wait3A_594 = arith.constant 0 : i32
      %dma_wait3A_595 = arith.constant 4 : i32
      %dma_wait3A_596 = arith.constant 64 : i32
      %dma_wait3A_597 = arith.constant 0 : i32
      %dma_wait3A_598 = tpu.memref_slice %arg6[%dma_wait3A_595, %dma_wait3A_596, %dma_wait3A_597] : memref<5x128x128xf32, #tpu.memory_space<vmem>> -> memref<1x64x128xf32, #tpu.memory_space<vmem>>
      %dma_wait3A_599 = tpu.memref_squeeze %dma_wait3A_598 : memref<1x64x128xf32, #tpu.memory_space<vmem>> -> memref<64x128xf32, #tpu.memory_space<vmem>>
      %dma_wait3A_600 = arith.constant 0 : i32
      %dma_wait3A_601 = tpu.memref_slice %arg5[%dma_wait3A_594, %dma_wait3A_600] : memref<50x128xi32, #tpu.memory_space<vmem>> -> memref<1x64xi32, #tpu.memory_space<vmem>>
      %dma_wait3A_602 = tpu.memref_squeeze %dma_wait3A_601 : memref<1x64xi32, #tpu.memory_space<vmem>> -> memref<64xi32, #tpu.memory_space<vmem>>
      %dma_wait3A_603 = arith.constant 0 : i32
      %dma_wait3A_604 = arith.constant 0 : i32
      %dma_wait3A_605 = tpu.memref_slice %arg3[%dma_wait3A_603, %dma_wait3A_604] : memref<100000x128xf32, #tpu.memory_space<hbm>> -> memref<100000x128xf32, #tpu.memory_space<hbm>>
      tpu.wait_indirect_dma semaphore(%arg11 : memref<!tpu.dma_semaphore, #tpu.memory_space<semaphore_mem>>) src(%dma_wait3A_605 : memref<100000x128xf32, #tpu.memory_space<hbm>>) dst(%dma_wait3A_599 : memref<64x128xf32, #tpu.memory_space<vmem>>)
      %dma_start3A_606 = arith.constant 4 : i32
      %dma_start3A_607 = arith.constant 0 : i32
      %dma_start3A_608 = arith.constant 0 : i32
      %dma_start3A_609 = tpu.memref_slice %arg6[%dma_start3A_606, %dma_start3A_607, %dma_start3A_608] : memref<5x128x128xf32, #tpu.memory_space<vmem>> -> memref<1x128x128xf32, #tpu.memory_space<vmem>>
      %dma_start3A_610 = tpu.memref_squeeze %dma_start3A_609 : memref<1x128x128xf32, #tpu.memory_space<vmem>> -> memref<128x128xf32, #tpu.memory_space<vmem>>
      %dma_start3A_611 = arith.constant 0 : i32
      %dma_start3A_612 = tpu.memref_slice %arg4[%add3A_581, %mul3A_2, %dma_start3A_611] : memref<50x4096x128xf32, #tpu.memory_space<hbm>> -> memref<1x128x128xf32, #tpu.memory_space<hbm>>
      %dma_start3A_613 = tpu.memref_squeeze %dma_start3A_612 : memref<1x128x128xf32, #tpu.memory_space<hbm>> -> memref<128x128xf32, #tpu.memory_space<hbm>>
      %dma_start3A_614 = arith.constant 0 : i32
      %dma_start3A_615 = tpu.memref_slice %arg4[%add3A_581, %mul3A_2, %dma_start3A_614] : memref<50x4096x128xf32, #tpu.memory_space<hbm>> -> memref<1x128x128xf32, #tpu.memory_space<hbm>>
      %dma_start3A_616 = tpu.memref_squeeze %dma_start3A_615 : memref<1x128x128xf32, #tpu.memory_space<hbm>> -> memref<128x128xf32, #tpu.memory_space<hbm>>
      %dma_start3A_617 = arith.constant 0 : i32
      %dma_start3A_618 = arith.constant 0 : i32
      %dma_start3A_619 = tpu.memref_slice %arg6[%dma_start3A_606, %dma_start3A_617, %dma_start3A_618] : memref<5x128x128xf32, #tpu.memory_space<vmem>> -> memref<1x128x128xf32, #tpu.memory_space<vmem>>
      %dma_start3A_620 = tpu.memref_squeeze %dma_start3A_619 : memref<1x128x128xf32, #tpu.memory_space<vmem>> -> memref<128x128xf32, #tpu.memory_space<vmem>>
      tpu.enqueue_dma source(%dma_start3A_620 : memref<128x128xf32, #tpu.memory_space<vmem>>) target(%dma_start3A_616 : memref<128x128xf32, #tpu.memory_space<hbm>>) target_semaphore(%arg16 : memref<!tpu.dma_semaphore, #tpu.memory_space<semaphore_mem>>)
      %mul3A_621 = arith.constant 5 : i32
      %mul3A_622 = arith.muli %scan3A_405, %mul3A_621 : i32
      %add3A_623 = arith.constant 0 : i32
      %add3A_624 = arith.addi %mul3A_622, %add3A_623 : i32
      %dma_wait3A_625 = arith.constant 0 : i32
      %dma_wait3A_626 = arith.constant 0 : i32
      %dma_wait3A_627 = arith.constant 0 : i32
      %dma_wait3A_628 = arith.constant 0 : i32
      %dma_wait3A_629 = tpu.memref_slice %arg6[%dma_wait3A_625, %dma_wait3A_627, %dma_wait3A_628] : memref<5x128x128xf32, #tpu.memory_space<vmem>> -> memref<1x128x128xf32, #tpu.memory_space<vmem>>
      %dma_wait3A_630 = tpu.memref_squeeze %dma_wait3A_629 : memref<1x128x128xf32, #tpu.memory_space<vmem>> -> memref<128x128xf32, #tpu.memory_space<vmem>>
      %dma_wait3A_631 = arith.constant 0 : i32
      %dma_wait3A_632 = tpu.memref_slice %arg4[%dma_wait3A_626, %mul3A_2, %dma_wait3A_631] : memref<50x4096x128xf32, #tpu.memory_space<hbm>> -> memref<1x128x128xf32, #tpu.memory_space<hbm>>
      %dma_wait3A_633 = tpu.memref_squeeze %dma_wait3A_632 : memref<1x128x128xf32, #tpu.memory_space<hbm>> -> memref<128x128xf32, #tpu.memory_space<hbm>>
      %dma_wait3A_634 = arith.constant 0 : i32
      %dma_wait3A_635 = tpu.memref_slice %arg4[%dma_wait3A_626, %mul3A_2, %dma_wait3A_634] : memref<50x4096x128xf32, #tpu.memory_space<hbm>> -> memref<1x128x128xf32, #tpu.memory_space<hbm>>
      %dma_wait3A_636 = tpu.memref_squeeze %dma_wait3A_635 : memref<1x128x128xf32, #tpu.memory_space<hbm>> -> memref<128x128xf32, #tpu.memory_space<hbm>>
      %dma_wait3A_637 = arith.constant 0 : i32
      %dma_wait3A_638 = arith.constant 0 : i32
      %dma_wait3A_639 = tpu.memref_slice %arg6[%dma_wait3A_625, %dma_wait3A_637, %dma_wait3A_638] : memref<5x128x128xf32, #tpu.memory_space<vmem>> -> memref<1x128x128xf32, #tpu.memory_space<vmem>>
      %dma_wait3A_640 = tpu.memref_squeeze %dma_wait3A_639 : memref<1x128x128xf32, #tpu.memory_space<vmem>> -> memref<128x128xf32, #tpu.memory_space<vmem>>
      tpu.wait_dma2 semaphore(%arg12 : memref<!tpu.dma_semaphore, #tpu.memory_space<semaphore_mem>>) src(%dma_wait3A_640 : memref<128x128xf32, #tpu.memory_space<vmem>>) dst(%dma_wait3A_636 : memref<128x128xf32, #tpu.memory_space<hbm>>)
      %add3A_641 = arith.constant 5 : i32
      %add3A_642 = arith.addi %add3A_624, %add3A_641 : i32
      %dma_start3A_643 = arith.constant 0 : i32
      %dma_start3A_644 = arith.constant 0 : i32
      %dma_start3A_645 = arith.constant 0 : i32
      %dma_start3A_646 = tpu.memref_slice %arg6[%dma_start3A_643, %dma_start3A_644, %dma_start3A_645] : memref<5x128x128xf32, #tpu.memory_space<vmem>> -> memref<1x64x128xf32, #tpu.memory_space<vmem>>
      %dma_start3A_647 = tpu.memref_squeeze %dma_start3A_646 : memref<1x64x128xf32, #tpu.memory_space<vmem>> -> memref<64x128xf32, #tpu.memory_space<vmem>>
      %dma_start3A_648 = arith.constant 0 : i32
      %dma_start3A_649 = tpu.memref_slice %arg5[%add3A_642, %dma_start3A_648] : memref<50x128xi32, #tpu.memory_space<vmem>> -> memref<1x64xi32, #tpu.memory_space<vmem>>
      %dma_start3A_650 = tpu.memref_squeeze %dma_start3A_649 : memref<1x64xi32, #tpu.memory_space<vmem>> -> memref<64xi32, #tpu.memory_space<vmem>>
      %dma_start3A_651 = arith.constant 0 : i32
      %dma_start3A_652 = arith.constant 0 : i32
      %dma_start3A_653 = tpu.memref_slice %arg3[%dma_start3A_651, %dma_start3A_652] : memref<100000x128xf32, #tpu.memory_space<hbm>> -> memref<100000x128xf32, #tpu.memory_space<hbm>>
      tpu.enqueue_indirect_dma source(%dma_start3A_653 : memref<100000x128xf32, #tpu.memory_space<hbm>>) target(%dma_start3A_647 : memref<64x128xf32, #tpu.memory_space<vmem>>) offsets(%dma_start3A_650 : memref<64xi32, #tpu.memory_space<vmem>>) semaphore(%arg7 : memref<!tpu.dma_semaphore, #tpu.memory_space<semaphore_mem>>)
      %dma_start3A_654 = arith.constant 0 : i32
      %dma_start3A_655 = arith.constant 64 : i32
      %dma_start3A_656 = arith.constant 0 : i32
      %dma_start3A_657 = tpu.memref_slice %arg6[%dma_start3A_654, %dma_start3A_655, %dma_start3A_656] : memref<5x128x128xf32, #tpu.memory_space<vmem>> -> memref<1x64x128xf32, #tpu.memory_space<vmem>>
      %dma_start3A_658 = tpu.memref_squeeze %dma_start3A_657 : memref<1x64x128xf32, #tpu.memory_space<vmem>> -> memref<64x128xf32, #tpu.memory_space<vmem>>
      %dma_start3A_659 = arith.constant 64 : i32
      %dma_start3A_660 = tpu.memref_slice %arg5[%add3A_642, %dma_start3A_659] : memref<50x128xi32, #tpu.memory_space<vmem>> -> memref<1x64xi32, #tpu.memory_space<vmem>>
      %dma_start3A_661 = tpu.memref_squeeze %dma_start3A_660 : memref<1x64xi32, #tpu.memory_space<vmem>> -> memref<64xi32, #tpu.memory_space<vmem>>
      %dma_start3A_662 = arith.constant 0 : i32
      %dma_start3A_663 = arith.constant 0 : i32
      %dma_start3A_664 = tpu.memref_slice %arg3[%dma_start3A_662, %dma_start3A_663] : memref<100000x128xf32, #tpu.memory_space<hbm>> -> memref<100000x128xf32, #tpu.memory_space<hbm>>
      tpu.enqueue_indirect_dma source(%dma_start3A_664 : memref<100000x128xf32, #tpu.memory_space<hbm>>) target(%dma_start3A_658 : memref<64x128xf32, #tpu.memory_space<vmem>>) offsets(%dma_start3A_661 : memref<64xi32, #tpu.memory_space<vmem>>) semaphore(%arg7 : memref<!tpu.dma_semaphore, #tpu.memory_space<semaphore_mem>>)
      %mul3A_665 = arith.constant 5 : i32
      %mul3A_666 = arith.muli %scan3A_405, %mul3A_665 : i32
      %add3A_667 = arith.constant 1 : i32
      %add3A_668 = arith.addi %mul3A_666, %add3A_667 : i32
      %dma_wait3A_669 = arith.constant 1 : i32
      %dma_wait3A_670 = arith.constant 0 : i32
      %dma_wait3A_671 = arith.constant 0 : i32
      %dma_wait3A_672 = arith.constant 0 : i32
      %dma_wait3A_673 = tpu.memref_slice %arg6[%dma_wait3A_669, %dma_wait3A_671, %dma_wait3A_672] : memref<5x128x128xf32, #tpu.memory_space<vmem>> -> memref<1x128x128xf32, #tpu.memory_space<vmem>>
      %dma_wait3A_674 = tpu.memref_squeeze %dma_wait3A_673 : memref<1x128x128xf32, #tpu.memory_space<vmem>> -> memref<128x128xf32, #tpu.memory_space<vmem>>
      %dma_wait3A_675 = arith.constant 0 : i32
      %dma_wait3A_676 = tpu.memref_slice %arg4[%dma_wait3A_670, %mul3A_2, %dma_wait3A_675] : memref<50x4096x128xf32, #tpu.memory_space<hbm>> -> memref<1x128x128xf32, #tpu.memory_space<hbm>>
      %dma_wait3A_677 = tpu.memref_squeeze %dma_wait3A_676 : memref<1x128x128xf32, #tpu.memory_space<hbm>> -> memref<128x128xf32, #tpu.memory_space<hbm>>
      %dma_wait3A_678 = arith.constant 0 : i32
      %dma_wait3A_679 = tpu.memref_slice %arg4[%dma_wait3A_670, %mul3A_2, %dma_wait3A_678] : memref<50x4096x128xf32, #tpu.memory_space<hbm>> -> memref<1x128x128xf32, #tpu.memory_space<hbm>>
      %dma_wait3A_680 = tpu.memref_squeeze %dma_wait3A_679 : memref<1x128x128xf32, #tpu.memory_space<hbm>> -> memref<128x128xf32, #tpu.memory_space<hbm>>
      %dma_wait3A_681 = arith.constant 0 : i32
      %dma_wait3A_682 = arith.constant 0 : i32
      %dma_wait3A_683 = tpu.memref_slice %arg6[%dma_wait3A_669, %dma_wait3A_681, %dma_wait3A_682] : memref<5x128x128xf32, #tpu.memory_space<vmem>> -> memref<1x128x128xf32, #tpu.memory_space<vmem>>
      %dma_wait3A_684 = tpu.memref_squeeze %dma_wait3A_683 : memref<1x128x128xf32, #tpu.memory_space<vmem>> -> memref<128x128xf32, #tpu.memory_space<vmem>>
      tpu.wait_dma2 semaphore(%arg13 : memref<!tpu.dma_semaphore, #tpu.memory_space<semaphore_mem>>) src(%dma_wait3A_684 : memref<128x128xf32, #tpu.memory_space<vmem>>) dst(%dma_wait3A_680 : memref<128x128xf32, #tpu.memory_space<hbm>>)
      %add3A_685 = arith.constant 5 : i32
      %add3A_686 = arith.addi %add3A_668, %add3A_685 : i32
      %dma_start3A_687 = arith.constant 1 : i32
      %dma_start3A_688 = arith.constant 0 : i32
      %dma_start3A_689 = arith.constant 0 : i32
      %dma_start3A_690 = tpu.memref_slice %arg6[%dma_start3A_687, %dma_start3A_688, %dma_start3A_689] : memref<5x128x128xf32, #tpu.memory_space<vmem>> -> memref<1x64x128xf32, #tpu.memory_space<vmem>>
      %dma_start3A_691 = tpu.memref_squeeze %dma_start3A_690 : memref<1x64x128xf32, #tpu.memory_space<vmem>> -> memref<64x128xf32, #tpu.memory_space<vmem>>
      %dma_start3A_692 = arith.constant 0 : i32
      %dma_start3A_693 = tpu.memref_slice %arg5[%add3A_686, %dma_start3A_692] : memref<50x128xi32, #tpu.memory_space<vmem>> -> memref<1x64xi32, #tpu.memory_space<vmem>>
      %dma_start3A_694 = tpu.memref_squeeze %dma_start3A_693 : memref<1x64xi32, #tpu.memory_space<vmem>> -> memref<64xi32, #tpu.memory_space<vmem>>
      %dma_start3A_695 = arith.constant 0 : i32
      %dma_start3A_696 = arith.constant 0 : i32
      %dma_start3A_697 = tpu.memref_slice %arg3[%dma_start3A_695, %dma_start3A_696] : memref<100000x128xf32, #tpu.memory_space<hbm>> -> memref<100000x128xf32, #tpu.memory_space<hbm>>
      tpu.enqueue_indirect_dma source(%dma_start3A_697 : memref<100000x128xf32, #tpu.memory_space<hbm>>) target(%dma_start3A_691 : memref<64x128xf32, #tpu.memory_space<vmem>>) offsets(%dma_start3A_694 : memref<64xi32, #tpu.memory_space<vmem>>) semaphore(%arg8 : memref<!tpu.dma_semaphore, #tpu.memory_space<semaphore_mem>>)
      %dma_start3A_698 = arith.constant 1 : i32
      %dma_start3A_699 = arith.constant 64 : i32
      %dma_start3A_700 = arith.constant 0 : i32
      %dma_start3A_701 = tpu.memref_slice %arg6[%dma_start3A_698, %dma_start3A_699, %dma_start3A_700] : memref<5x128x128xf32, #tpu.memory_space<vmem>> -> memref<1x64x128xf32, #tpu.memory_space<vmem>>
      %dma_start3A_702 = tpu.memref_squeeze %dma_start3A_701 : memref<1x64x128xf32, #tpu.memory_space<vmem>> -> memref<64x128xf32, #tpu.memory_space<vmem>>
      %dma_start3A_703 = arith.constant 64 : i32
      %dma_start3A_704 = tpu.memref_slice %arg5[%add3A_686, %dma_start3A_703] : memref<50x128xi32, #tpu.memory_space<vmem>> -> memref<1x64xi32, #tpu.memory_space<vmem>>
      %dma_start3A_705 = tpu.memref_squeeze %dma_start3A_704 : memref<1x64xi32, #tpu.memory_space<vmem>> -> memref<64xi32, #tpu.memory_space<vmem>>
      %dma_start3A_706 = arith.constant 0 : i32
      %dma_start3A_707 = arith.constant 0 : i32
      %dma_start3A_708 = tpu.memref_slice %arg3[%dma_start3A_706, %dma_start3A_707] : memref<100000x128xf32, #tpu.memory_space<hbm>> -> memref<100000x128xf32, #tpu.memory_space<hbm>>
      tpu.enqueue_indirect_dma source(%dma_start3A_708 : memref<100000x128xf32, #tpu.memory_space<hbm>>) target(%dma_start3A_702 : memref<64x128xf32, #tpu.memory_space<vmem>>) offsets(%dma_start3A_705 : memref<64xi32, #tpu.memory_space<vmem>>) semaphore(%arg8 : memref<!tpu.dma_semaphore, #tpu.memory_space<semaphore_mem>>)
      %mul3A_709 = arith.constant 5 : i32
      %mul3A_710 = arith.muli %scan3A_405, %mul3A_709 : i32
      %add3A_711 = arith.constant 2 : i32
      %add3A_712 = arith.addi %mul3A_710, %add3A_711 : i32
      %dma_wait3A_713 = arith.constant 2 : i32
      %dma_wait3A_714 = arith.constant 0 : i32
      %dma_wait3A_715 = arith.constant 0 : i32
      %dma_wait3A_716 = arith.constant 0 : i32
      %dma_wait3A_717 = tpu.memref_slice %arg6[%dma_wait3A_713, %dma_wait3A_715, %dma_wait3A_716] : memref<5x128x128xf32, #tpu.memory_space<vmem>> -> memref<1x128x128xf32, #tpu.memory_space<vmem>>
      %dma_wait3A_718 = tpu.memref_squeeze %dma_wait3A_717 : memref<1x128x128xf32, #tpu.memory_space<vmem>> -> memref<128x128xf32, #tpu.memory_space<vmem>>
      %dma_wait3A_719 = arith.constant 0 : i32
      %dma_wait3A_720 = tpu.memref_slice %arg4[%dma_wait3A_714, %mul3A_2, %dma_wait3A_719] : memref<50x4096x128xf32, #tpu.memory_space<hbm>> -> memref<1x128x128xf32, #tpu.memory_space<hbm>>
      %dma_wait3A_721 = tpu.memref_squeeze %dma_wait3A_720 : memref<1x128x128xf32, #tpu.memory_space<hbm>> -> memref<128x128xf32, #tpu.memory_space<hbm>>
      %dma_wait3A_722 = arith.constant 0 : i32
      %dma_wait3A_723 = tpu.memref_slice %arg4[%dma_wait3A_714, %mul3A_2, %dma_wait3A_722] : memref<50x4096x128xf32, #tpu.memory_space<hbm>> -> memref<1x128x128xf32, #tpu.memory_space<hbm>>
      %dma_wait3A_724 = tpu.memref_squeeze %dma_wait3A_723 : memref<1x128x128xf32, #tpu.memory_space<hbm>> -> memref<128x128xf32, #tpu.memory_space<hbm>>
      %dma_wait3A_725 = arith.constant 0 : i32
      %dma_wait3A_726 = arith.constant 0 : i32
      %dma_wait3A_727 = tpu.memref_slice %arg6[%dma_wait3A_713, %dma_wait3A_725, %dma_wait3A_726] : memref<5x128x128xf32, #tpu.memory_space<vmem>> -> memref<1x128x128xf32, #tpu.memory_space<vmem>>
      %dma_wait3A_728 = tpu.memref_squeeze %dma_wait3A_727 : memref<1x128x128xf32, #tpu.memory_space<vmem>> -> memref<128x128xf32, #tpu.memory_space<vmem>>
      tpu.wait_dma2 semaphore(%arg14 : memref<!tpu.dma_semaphore, #tpu.memory_space<semaphore_mem>>) src(%dma_wait3A_728 : memref<128x128xf32, #tpu.memory_space<vmem>>) dst(%dma_wait3A_724 : memref<128x128xf32, #tpu.memory_space<hbm>>)
      %add3A_729 = arith.constant 5 : i32
      %add3A_730 = arith.addi %add3A_712, %add3A_729 : i32
      %dma_start3A_731 = arith.constant 2 : i32
      %dma_start3A_732 = arith.constant 0 : i32
      %dma_start3A_733 = arith.constant 0 : i32
      %dma_start3A_734 = tpu.memref_slice %arg6[%dma_start3A_731, %dma_start3A_732, %dma_start3A_733] : memref<5x128x128xf32, #tpu.memory_space<vmem>> -> memref<1x64x128xf32, #tpu.memory_space<vmem>>
      %dma_start3A_735 = tpu.memref_squeeze %dma_start3A_734 : memref<1x64x128xf32, #tpu.memory_space<vmem>> -> memref<64x128xf32, #tpu.memory_space<vmem>>
      %dma_start3A_736 = arith.constant 0 : i32
      %dma_start3A_737 = tpu.memref_slice %arg5[%add3A_730, %dma_start3A_736] : memref<50x128xi32, #tpu.memory_space<vmem>> -> memref<1x64xi32, #tpu.memory_space<vmem>>
      %dma_start3A_738 = tpu.memref_squeeze %dma_start3A_737 : memref<1x64xi32, #tpu.memory_space<vmem>> -> memref<64xi32, #tpu.memory_space<vmem>>
      %dma_start3A_739 = arith.constant 0 : i32
      %dma_start3A_740 = arith.constant 0 : i32
      %dma_start3A_741 = tpu.memref_slice %arg3[%dma_start3A_739, %dma_start3A_740] : memref<100000x128xf32, #tpu.memory_space<hbm>> -> memref<100000x128xf32, #tpu.memory_space<hbm>>
      tpu.enqueue_indirect_dma source(%dma_start3A_741 : memref<100000x128xf32, #tpu.memory_space<hbm>>) target(%dma_start3A_735 : memref<64x128xf32, #tpu.memory_space<vmem>>) offsets(%dma_start3A_738 : memref<64xi32, #tpu.memory_space<vmem>>) semaphore(%arg9 : memref<!tpu.dma_semaphore, #tpu.memory_space<semaphore_mem>>)
      %dma_start3A_742 = arith.constant 2 : i32
      %dma_start3A_743 = arith.constant 64 : i32
      %dma_start3A_744 = arith.constant 0 : i32
      %dma_start3A_745 = tpu.memref_slice %arg6[%dma_start3A_742, %dma_start3A_743, %dma_start3A_744] : memref<5x128x128xf32, #tpu.memory_space<vmem>> -> memref<1x64x128xf32, #tpu.memory_space<vmem>>
      %dma_start3A_746 = tpu.memref_squeeze %dma_start3A_745 : memref<1x64x128xf32, #tpu.memory_space<vmem>> -> memref<64x128xf32, #tpu.memory_space<vmem>>
      %dma_start3A_747 = arith.constant 64 : i32
      %dma_start3A_748 = tpu.memref_slice %arg5[%add3A_730, %dma_start3A_747] : memref<50x128xi32, #tpu.memory_space<vmem>> -> memref<1x64xi32, #tpu.memory_space<vmem>>
      %dma_start3A_749 = tpu.memref_squeeze %dma_start3A_748 : memref<1x64xi32, #tpu.memory_space<vmem>> -> memref<64xi32, #tpu.memory_space<vmem>>
      %dma_start3A_750 = arith.constant 0 : i32
      %dma_start3A_751 = arith.constant 0 : i32
      %dma_start3A_752 = tpu.memref_slice %arg3[%dma_start3A_750, %dma_start3A_751] : memref<100000x128xf32, #tpu.memory_space<hbm>> -> memref<100000x128xf32, #tpu.memory_space<hbm>>
      tpu.enqueue_indirect_dma source(%dma_start3A_752 : memref<100000x128xf32, #tpu.memory_space<hbm>>) target(%dma_start3A_746 : memref<64x128xf32, #tpu.memory_space<vmem>>) offsets(%dma_start3A_749 : memref<64xi32, #tpu.memory_space<vmem>>) semaphore(%arg9 : memref<!tpu.dma_semaphore, #tpu.memory_space<semaphore_mem>>)
      %mul3A_753 = arith.constant 5 : i32
      %mul3A_754 = arith.muli %scan3A_405, %mul3A_753 : i32
      %add3A_755 = arith.constant 3 : i32
      %add3A_756 = arith.addi %mul3A_754, %add3A_755 : i32
      %dma_wait3A_757 = arith.constant 3 : i32
      %dma_wait3A_758 = arith.constant 0 : i32
      %dma_wait3A_759 = arith.constant 0 : i32
      %dma_wait3A_760 = arith.constant 0 : i32
      %dma_wait3A_761 = tpu.memref_slice %arg6[%dma_wait3A_757, %dma_wait3A_759, %dma_wait3A_760] : memref<5x128x128xf32, #tpu.memory_space<vmem>> -> memref<1x128x128xf32, #tpu.memory_space<vmem>>
      %dma_wait3A_762 = tpu.memref_squeeze %dma_wait3A_761 : memref<1x128x128xf32, #tpu.memory_space<vmem>> -> memref<128x128xf32, #tpu.memory_space<vmem>>
      %dma_wait3A_763 = arith.constant 0 : i32
      %dma_wait3A_764 = tpu.memref_slice %arg4[%dma_wait3A_758, %mul3A_2, %dma_wait3A_763] : memref<50x4096x128xf32, #tpu.memory_space<hbm>> -> memref<1x128x128xf32, #tpu.memory_space<hbm>>
      %dma_wait3A_765 = tpu.memref_squeeze %dma_wait3A_764 : memref<1x128x128xf32, #tpu.memory_space<hbm>> -> memref<128x128xf32, #tpu.memory_space<hbm>>
      %dma_wait3A_766 = arith.constant 0 : i32
      %dma_wait3A_767 = tpu.memref_slice %arg4[%dma_wait3A_758, %mul3A_2, %dma_wait3A_766] : memref<50x4096x128xf32, #tpu.memory_space<hbm>> -> memref<1x128x128xf32, #tpu.memory_space<hbm>>
      %dma_wait3A_768 = tpu.memref_squeeze %dma_wait3A_767 : memref<1x128x128xf32, #tpu.memory_space<hbm>> -> memref<128x128xf32, #tpu.memory_space<hbm>>
      %dma_wait3A_769 = arith.constant 0 : i32
      %dma_wait3A_770 = arith.constant 0 : i32
      %dma_wait3A_771 = tpu.memref_slice %arg6[%dma_wait3A_757, %dma_wait3A_769, %dma_wait3A_770] : memref<5x128x128xf32, #tpu.memory_space<vmem>> -> memref<1x128x128xf32, #tpu.memory_space<vmem>>
      %dma_wait3A_772 = tpu.memref_squeeze %dma_wait3A_771 : memref<1x128x128xf32, #tpu.memory_space<vmem>> -> memref<128x128xf32, #tpu.memory_space<vmem>>
      tpu.wait_dma2 semaphore(%arg15 : memref<!tpu.dma_semaphore, #tpu.memory_space<semaphore_mem>>) src(%dma_wait3A_772 : memref<128x128xf32, #tpu.memory_space<vmem>>) dst(%dma_wait3A_768 : memref<128x128xf32, #tpu.memory_space<hbm>>)
      %add3A_773 = arith.constant 5 : i32
      %add3A_774 = arith.addi %add3A_756, %add3A_773 : i32
      %dma_start3A_775 = arith.constant 3 : i32
      %dma_start3A_776 = arith.constant 0 : i32
      %dma_start3A_777 = arith.constant 0 : i32
      %dma_start3A_778 = tpu.memref_slice %arg6[%dma_start3A_775, %dma_start3A_776, %dma_start3A_777] : memref<5x128x128xf32, #tpu.memory_space<vmem>> -> memref<1x64x128xf32, #tpu.memory_space<vmem>>
      %dma_start3A_779 = tpu.memref_squeeze %dma_start3A_778 : memref<1x64x128xf32, #tpu.memory_space<vmem>> -> memref<64x128xf32, #tpu.memory_space<vmem>>
      %dma_start3A_780 = arith.constant 0 : i32
      %dma_start3A_781 = tpu.memref_slice %arg5[%add3A_774, %dma_start3A_780] : memref<50x128xi32, #tpu.memory_space<vmem>> -> memref<1x64xi32, #tpu.memory_space<vmem>>
      %dma_start3A_782 = tpu.memref_squeeze %dma_start3A_781 : memref<1x64xi32, #tpu.memory_space<vmem>> -> memref<64xi32, #tpu.memory_space<vmem>>
      %dma_start3A_783 = arith.constant 0 : i32
      %dma_start3A_784 = arith.constant 0 : i32
      %dma_start3A_785 = tpu.memref_slice %arg3[%dma_start3A_783, %dma_start3A_784] : memref<100000x128xf32, #tpu.memory_space<hbm>> -> memref<100000x128xf32, #tpu.memory_space<hbm>>
      tpu.enqueue_indirect_dma source(%dma_start3A_785 : memref<100000x128xf32, #tpu.memory_space<hbm>>) target(%dma_start3A_779 : memref<64x128xf32, #tpu.memory_space<vmem>>) offsets(%dma_start3A_782 : memref<64xi32, #tpu.memory_space<vmem>>) semaphore(%arg10 : memref<!tpu.dma_semaphore, #tpu.memory_space<semaphore_mem>>)
      %dma_start3A_786 = arith.constant 3 : i32
      %dma_start3A_787 = arith.constant 64 : i32
      %dma_start3A_788 = arith.constant 0 : i32
      %dma_start3A_789 = tpu.memref_slice %arg6[%dma_start3A_786, %dma_start3A_787, %dma_start3A_788] : memref<5x128x128xf32, #tpu.memory_space<vmem>> -> memref<1x64x128xf32, #tpu.memory_space<vmem>>
      %dma_start3A_790 = tpu.memref_squeeze %dma_start3A_789 : memref<1x64x128xf32, #tpu.memory_space<vmem>> -> memref<64x128xf32, #tpu.memory_space<vmem>>
      %dma_start3A_791 = arith.constant 64 : i32
      %dma_start3A_792 = tpu.memref_slice %arg5[%add3A_774, %dma_start3A_791] : memref<50x128xi32, #tpu.memory_space<vmem>> -> memref<1x64xi32, #tpu.memory_space<vmem>>
      %dma_start3A_793 = tpu.memref_squeeze %dma_start3A_792 : memref<1x64xi32, #tpu.memory_space<vmem>> -> memref<64xi32, #tpu.memory_space<vmem>>
      %dma_start3A_794 = arith.constant 0 : i32
      %dma_start3A_795 = arith.constant 0 : i32
      %dma_start3A_796 = tpu.memref_slice %arg3[%dma_start3A_794, %dma_start3A_795] : memref<100000x128xf32, #tpu.memory_space<hbm>> -> memref<100000x128xf32, #tpu.memory_space<hbm>>
      tpu.enqueue_indirect_dma source(%dma_start3A_796 : memref<100000x128xf32, #tpu.memory_space<hbm>>) target(%dma_start3A_790 : memref<64x128xf32, #tpu.memory_space<vmem>>) offsets(%dma_start3A_793 : memref<64xi32, #tpu.memory_space<vmem>>) semaphore(%arg10 : memref<!tpu.dma_semaphore, #tpu.memory_space<semaphore_mem>>)
      %mul3A_797 = arith.constant 5 : i32
      %mul3A_798 = arith.muli %scan3A_405, %mul3A_797 : i32
      %add3A_799 = arith.constant 4 : i32
      %add3A_800 = arith.addi %mul3A_798, %add3A_799 : i32
      %dma_wait3A_801 = arith.constant 4 : i32
      %dma_wait3A_802 = arith.constant 0 : i32
      %dma_wait3A_803 = arith.constant 0 : i32
      %dma_wait3A_804 = arith.constant 0 : i32
      %dma_wait3A_805 = tpu.memref_slice %arg6[%dma_wait3A_801, %dma_wait3A_803, %dma_wait3A_804] : memref<5x128x128xf32, #tpu.memory_space<vmem>> -> memref<1x128x128xf32, #tpu.memory_space<vmem>>
      %dma_wait3A_806 = tpu.memref_squeeze %dma_wait3A_805 : memref<1x128x128xf32, #tpu.memory_space<vmem>> -> memref<128x128xf32, #tpu.memory_space<vmem>>
      %dma_wait3A_807 = arith.constant 0 : i32
      %dma_wait3A_808 = tpu.memref_slice %arg4[%dma_wait3A_802, %mul3A_2, %dma_wait3A_807] : memref<50x4096x128xf32, #tpu.memory_space<hbm>> -> memref<1x128x128xf32, #tpu.memory_space<hbm>>
      %dma_wait3A_809 = tpu.memref_squeeze %dma_wait3A_808 : memref<1x128x128xf32, #tpu.memory_space<hbm>> -> memref<128x128xf32, #tpu.memory_space<hbm>>
      %dma_wait3A_810 = arith.constant 0 : i32
      %dma_wait3A_811 = tpu.memref_slice %arg4[%dma_wait3A_802, %mul3A_2, %dma_wait3A_810] : memref<50x4096x128xf32, #tpu.memory_space<hbm>> -> memref<1x128x128xf32, #tpu.memory_space<hbm>>
      %dma_wait3A_812 = tpu.memref_squeeze %dma_wait3A_811 : memref<1x128x128xf32, #tpu.memory_space<hbm>> -> memref<128x128xf32, #tpu.memory_space<hbm>>
      %dma_wait3A_813 = arith.constant 0 : i32
      %dma_wait3A_814 = arith.constant 0 : i32
      %dma_wait3A_815 = tpu.memref_slice %arg6[%dma_wait3A_801, %dma_wait3A_813, %dma_wait3A_814] : memref<5x128x128xf32, #tpu.memory_space<vmem>> -> memref<1x128x128xf32, #tpu.memory_space<vmem>>
      %dma_wait3A_816 = tpu.memref_squeeze %dma_wait3A_815 : memref<1x128x128xf32, #tpu.memory_space<vmem>> -> memref<128x128xf32, #tpu.memory_space<vmem>>
      tpu.wait_dma2 semaphore(%arg16 : memref<!tpu.dma_semaphore, #tpu.memory_space<semaphore_mem>>) src(%dma_wait3A_816 : memref<128x128xf32, #tpu.memory_space<vmem>>) dst(%dma_wait3A_812 : memref<128x128xf32, #tpu.memory_space<hbm>>)
      %add3A_817 = arith.constant 5 : i32
      %add3A_818 = arith.addi %add3A_800, %add3A_817 : i32
      %dma_start3A_819 = arith.constant 4 : i32
      %dma_start3A_820 = arith.constant 0 : i32
      %dma_start3A_821 = arith.constant 0 : i32
      %dma_start3A_822 = tpu.memref_slice %arg6[%dma_start3A_819, %dma_start3A_820, %dma_start3A_821] : memref<5x128x128xf32, #tpu.memory_space<vmem>> -> memref<1x64x128xf32, #tpu.memory_space<vmem>>
      %dma_start3A_823 = tpu.memref_squeeze %dma_start3A_822 : memref<1x64x128xf32, #tpu.memory_space<vmem>> -> memref<64x128xf32, #tpu.memory_space<vmem>>
      %dma_start3A_824 = arith.constant 0 : i32
      %dma_start3A_825 = tpu.memref_slice %arg5[%add3A_818, %dma_start3A_824] : memref<50x128xi32, #tpu.memory_space<vmem>> -> memref<1x64xi32, #tpu.memory_space<vmem>>
      %dma_start3A_826 = tpu.memref_squeeze %dma_start3A_825 : memref<1x64xi32, #tpu.memory_space<vmem>> -> memref<64xi32, #tpu.memory_space<vmem>>
      %dma_start3A_827 = arith.constant 0 : i32
      %dma_start3A_828 = arith.constant 0 : i32
      %dma_start3A_829 = tpu.memref_slice %arg3[%dma_start3A_827, %dma_start3A_828] : memref<100000x128xf32, #tpu.memory_space<hbm>> -> memref<100000x128xf32, #tpu.memory_space<hbm>>
      tpu.enqueue_indirect_dma source(%dma_start3A_829 : memref<100000x128xf32, #tpu.memory_space<hbm>>) target(%dma_start3A_823 : memref<64x128xf32, #tpu.memory_space<vmem>>) offsets(%dma_start3A_826 : memref<64xi32, #tpu.memory_space<vmem>>) semaphore(%arg11 : memref<!tpu.dma_semaphore, #tpu.memory_space<semaphore_mem>>)
      %dma_start3A_830 = arith.constant 4 : i32
      %dma_start3A_831 = arith.constant 64 : i32
      %dma_start3A_832 = arith.constant 0 : i32
      %dma_start3A_833 = tpu.memref_slice %arg6[%dma_start3A_830, %dma_start3A_831, %dma_start3A_832] : memref<5x128x128xf32, #tpu.memory_space<vmem>> -> memref<1x64x128xf32, #tpu.memory_space<vmem>>
      %dma_start3A_834 = tpu.memref_squeeze %dma_start3A_833 : memref<1x64x128xf32, #tpu.memory_space<vmem>> -> memref<64x128xf32, #tpu.memory_space<vmem>>
      %dma_start3A_835 = arith.constant 64 : i32
      %dma_start3A_836 = tpu.memref_slice %arg5[%add3A_818, %dma_start3A_835] : memref<50x128xi32, #tpu.memory_space<vmem>> -> memref<1x64xi32, #tpu.memory_space<vmem>>
      %dma_start3A_837 = tpu.memref_squeeze %dma_start3A_836 : memref<1x64xi32, #tpu.memory_space<vmem>> -> memref<64xi32, #tpu.memory_space<vmem>>
      %dma_start3A_838 = arith.constant 0 : i32
      %dma_start3A_839 = arith.constant 0 : i32
      %dma_start3A_840 = tpu.memref_slice %arg3[%dma_start3A_838, %dma_start3A_839] : memref<100000x128xf32, #tpu.memory_space<hbm>> -> memref<100000x128xf32, #tpu.memory_space<hbm>>
      tpu.enqueue_indirect_dma source(%dma_start3A_840 : memref<100000x128xf32, #tpu.memory_space<hbm>>) target(%dma_start3A_834 : memref<64x128xf32, #tpu.memory_space<vmem>>) offsets(%dma_start3A_837 : memref<64xi32, #tpu.memory_space<vmem>>) semaphore(%arg11 : memref<!tpu.dma_semaphore, #tpu.memory_space<semaphore_mem>>)
    }
    %scan3A_125 = arith.constant 9 : i32
    %dma_wait3A = arith.constant 0 : i32
    %dma_wait3A_126 = arith.constant 0 : i32
    %dma_wait3A_127 = arith.constant 0 : i32
    %dma_wait3A_128 = arith.constant 0 : i32
    %dma_wait3A_129 = tpu.memref_slice %arg6[%dma_wait3A_126, %dma_wait3A_127, %dma_wait3A_128] : memref<5x128x128xf32, #tpu.memory_space<vmem>> -> memref<1x64x128xf32, #tpu.memory_space<vmem>>
    %dma_wait3A_130 = tpu.memref_squeeze %dma_wait3A_129 : memref<1x64x128xf32, #tpu.memory_space<vmem>> -> memref<64x128xf32, #tpu.memory_space<vmem>>
    %dma_wait3A_131 = arith.constant 0 : i32
    %dma_wait3A_132 = tpu.memref_slice %arg5[%dma_wait3A, %dma_wait3A_131] : memref<50x128xi32, #tpu.memory_space<vmem>> -> memref<1x64xi32, #tpu.memory_space<vmem>>
    %dma_wait3A_133 = tpu.memref_squeeze %dma_wait3A_132 : memref<1x64xi32, #tpu.memory_space<vmem>> -> memref<64xi32, #tpu.memory_space<vmem>>
    %dma_wait3A_134 = arith.constant 0 : i32
    %dma_wait3A_135 = arith.constant 0 : i32
    %dma_wait3A_136 = tpu.memref_slice %arg3[%dma_wait3A_134, %dma_wait3A_135] : memref<100000x128xf32, #tpu.memory_space<hbm>> -> memref<100000x128xf32, #tpu.memory_space<hbm>>
    tpu.wait_indirect_dma semaphore(%arg7 : memref<!tpu.dma_semaphore, #tpu.memory_space<semaphore_mem>>) src(%dma_wait3A_136 : memref<100000x128xf32, #tpu.memory_space<hbm>>) dst(%dma_wait3A_130 : memref<64x128xf32, #tpu.memory_space<vmem>>)
    %dma_wait3A_137 = arith.constant 0 : i32
    %dma_wait3A_138 = arith.constant 0 : i32
    %dma_wait3A_139 = arith.constant 64 : i32
    %dma_wait3A_140 = arith.constant 0 : i32
    %dma_wait3A_141 = tpu.memref_slice %arg6[%dma_wait3A_138, %dma_wait3A_139, %dma_wait3A_140] : memref<5x128x128xf32, #tpu.memory_space<vmem>> -> memref<1x64x128xf32, #tpu.memory_space<vmem>>
    %dma_wait3A_142 = tpu.memref_squeeze %dma_wait3A_141 : memref<1x64x128xf32, #tpu.memory_space<vmem>> -> memref<64x128xf32, #tpu.memory_space<vmem>>
    %dma_wait3A_143 = arith.constant 0 : i32
    %dma_wait3A_144 = tpu.memref_slice %arg5[%dma_wait3A_137, %dma_wait3A_143] : memref<50x128xi32, #tpu.memory_space<vmem>> -> memref<1x64xi32, #tpu.memory_space<vmem>>
    %dma_wait3A_145 = tpu.memref_squeeze %dma_wait3A_144 : memref<1x64xi32, #tpu.memory_space<vmem>> -> memref<64xi32, #tpu.memory_space<vmem>>
    %dma_wait3A_146 = arith.constant 0 : i32
    %dma_wait3A_147 = arith.constant 0 : i32
    %dma_wait3A_148 = tpu.memref_slice %arg3[%dma_wait3A_146, %dma_wait3A_147] : memref<100000x128xf32, #tpu.memory_space<hbm>> -> memref<100000x128xf32, #tpu.memory_space<hbm>>
    tpu.wait_indirect_dma semaphore(%arg7 : memref<!tpu.dma_semaphore, #tpu.memory_space<semaphore_mem>>) src(%dma_wait3A_148 : memref<100000x128xf32, #tpu.memory_space<hbm>>) dst(%dma_wait3A_142 : memref<64x128xf32, #tpu.memory_space<vmem>>)
    %dma_start3A_149 = arith.constant 0 : i32
    %dma_start3A_150 = arith.constant 45 : i32
    %dma_start3A_151 = arith.constant 0 : i32
    %dma_start3A_152 = arith.constant 0 : i32
    %dma_start3A_153 = tpu.memref_slice %arg6[%dma_start3A_149, %dma_start3A_151, %dma_start3A_152] : memref<5x128x128xf32, #tpu.memory_space<vmem>> -> memref<1x128x128xf32, #tpu.memory_space<vmem>>
    %dma_start3A_154 = tpu.memref_squeeze %dma_start3A_153 : memref<1x128x128xf32, #tpu.memory_space<vmem>> -> memref<128x128xf32, #tpu.memory_space<vmem>>
    %dma_start3A_155 = arith.constant 0 : i32
    %dma_start3A_156 = tpu.memref_slice %arg4[%dma_start3A_150, %mul3A_2, %dma_start3A_155] : memref<50x4096x128xf32, #tpu.memory_space<hbm>> -> memref<1x128x128xf32, #tpu.memory_space<hbm>>
    %dma_start3A_157 = tpu.memref_squeeze %dma_start3A_156 : memref<1x128x128xf32, #tpu.memory_space<hbm>> -> memref<128x128xf32, #tpu.memory_space<hbm>>
    %dma_start3A_158 = arith.constant 0 : i32
    %dma_start3A_159 = tpu.memref_slice %arg4[%dma_start3A_150, %mul3A_2, %dma_start3A_158] : memref<50x4096x128xf32, #tpu.memory_space<hbm>> -> memref<1x128x128xf32, #tpu.memory_space<hbm>>
    %dma_start3A_160 = tpu.memref_squeeze %dma_start3A_159 : memref<1x128x128xf32, #tpu.memory_space<hbm>> -> memref<128x128xf32, #tpu.memory_space<hbm>>
    %dma_start3A_161 = arith.constant 0 : i32
    %dma_start3A_162 = arith.constant 0 : i32
    %dma_start3A_163 = tpu.memref_slice %arg6[%dma_start3A_149, %dma_start3A_161, %dma_start3A_162] : memref<5x128x128xf32, #tpu.memory_space<vmem>> -> memref<1x128x128xf32, #tpu.memory_space<vmem>>
    %dma_start3A_164 = tpu.memref_squeeze %dma_start3A_163 : memref<1x128x128xf32, #tpu.memory_space<vmem>> -> memref<128x128xf32, #tpu.memory_space<vmem>>
    tpu.enqueue_dma source(%dma_start3A_164 : memref<128x128xf32, #tpu.memory_space<vmem>>) target(%dma_start3A_160 : memref<128x128xf32, #tpu.memory_space<hbm>>) target_semaphore(%arg12 : memref<!tpu.dma_semaphore, #tpu.memory_space<semaphore_mem>>)
    %dma_wait3A_165 = arith.constant 0 : i32
    %dma_wait3A_166 = arith.constant 1 : i32
    %dma_wait3A_167 = arith.constant 0 : i32
    %dma_wait3A_168 = arith.constant 0 : i32
    %dma_wait3A_169 = tpu.memref_slice %arg6[%dma_wait3A_166, %dma_wait3A_167, %dma_wait3A_168] : memref<5x128x128xf32, #tpu.memory_space<vmem>> -> memref<1x64x128xf32, #tpu.memory_space<vmem>>
    %dma_wait3A_170 = tpu.memref_squeeze %dma_wait3A_169 : memref<1x64x128xf32, #tpu.memory_space<vmem>> -> memref<64x128xf32, #tpu.memory_space<vmem>>
    %dma_wait3A_171 = arith.constant 0 : i32
    %dma_wait3A_172 = tpu.memref_slice %arg5[%dma_wait3A_165, %dma_wait3A_171] : memref<50x128xi32, #tpu.memory_space<vmem>> -> memref<1x64xi32, #tpu.memory_space<vmem>>
    %dma_wait3A_173 = tpu.memref_squeeze %dma_wait3A_172 : memref<1x64xi32, #tpu.memory_space<vmem>> -> memref<64xi32, #tpu.memory_space<vmem>>
    %dma_wait3A_174 = arith.constant 0 : i32
    %dma_wait3A_175 = arith.constant 0 : i32
    %dma_wait3A_176 = tpu.memref_slice %arg3[%dma_wait3A_174, %dma_wait3A_175] : memref<100000x128xf32, #tpu.memory_space<hbm>> -> memref<100000x128xf32, #tpu.memory_space<hbm>>
    tpu.wait_indirect_dma semaphore(%arg8 : memref<!tpu.dma_semaphore, #tpu.memory_space<semaphore_mem>>) src(%dma_wait3A_176 : memref<100000x128xf32, #tpu.memory_space<hbm>>) dst(%dma_wait3A_170 : memref<64x128xf32, #tpu.memory_space<vmem>>)
    %dma_wait3A_177 = arith.constant 0 : i32
    %dma_wait3A_178 = arith.constant 1 : i32
    %dma_wait3A_179 = arith.constant 64 : i32
    %dma_wait3A_180 = arith.constant 0 : i32
    %dma_wait3A_181 = tpu.memref_slice %arg6[%dma_wait3A_178, %dma_wait3A_179, %dma_wait3A_180] : memref<5x128x128xf32, #tpu.memory_space<vmem>> -> memref<1x64x128xf32, #tpu.memory_space<vmem>>
    %dma_wait3A_182 = tpu.memref_squeeze %dma_wait3A_181 : memref<1x64x128xf32, #tpu.memory_space<vmem>> -> memref<64x128xf32, #tpu.memory_space<vmem>>
    %dma_wait3A_183 = arith.constant 0 : i32
    %dma_wait3A_184 = tpu.memref_slice %arg5[%dma_wait3A_177, %dma_wait3A_183] : memref<50x128xi32, #tpu.memory_space<vmem>> -> memref<1x64xi32, #tpu.memory_space<vmem>>
    %dma_wait3A_185 = tpu.memref_squeeze %dma_wait3A_184 : memref<1x64xi32, #tpu.memory_space<vmem>> -> memref<64xi32, #tpu.memory_space<vmem>>
    %dma_wait3A_186 = arith.constant 0 : i32
    %dma_wait3A_187 = arith.constant 0 : i32
    %dma_wait3A_188 = tpu.memref_slice %arg3[%dma_wait3A_186, %dma_wait3A_187] : memref<100000x128xf32, #tpu.memory_space<hbm>> -> memref<100000x128xf32, #tpu.memory_space<hbm>>
    tpu.wait_indirect_dma semaphore(%arg8 : memref<!tpu.dma_semaphore, #tpu.memory_space<semaphore_mem>>) src(%dma_wait3A_188 : memref<100000x128xf32, #tpu.memory_space<hbm>>) dst(%dma_wait3A_182 : memref<64x128xf32, #tpu.memory_space<vmem>>)
    %dma_start3A_189 = arith.constant 1 : i32
    %dma_start3A_190 = arith.constant 46 : i32
    %dma_start3A_191 = arith.constant 0 : i32
    %dma_start3A_192 = arith.constant 0 : i32
    %dma_start3A_193 = tpu.memref_slice %arg6[%dma_start3A_189, %dma_start3A_191, %dma_start3A_192] : memref<5x128x128xf32, #tpu.memory_space<vmem>> -> memref<1x128x128xf32, #tpu.memory_space<vmem>>
    %dma_start3A_194 = tpu.memref_squeeze %dma_start3A_193 : memref<1x128x128xf32, #tpu.memory_space<vmem>> -> memref<128x128xf32, #tpu.memory_space<vmem>>
    %dma_start3A_195 = arith.constant 0 : i32
    %dma_start3A_196 = tpu.memref_slice %arg4[%dma_start3A_190, %mul3A_2, %dma_start3A_195] : memref<50x4096x128xf32, #tpu.memory_space<hbm>> -> memref<1x128x128xf32, #tpu.memory_space<hbm>>
    %dma_start3A_197 = tpu.memref_squeeze %dma_start3A_196 : memref<1x128x128xf32, #tpu.memory_space<hbm>> -> memref<128x128xf32, #tpu.memory_space<hbm>>
    %dma_start3A_198 = arith.constant 0 : i32
    %dma_start3A_199 = tpu.memref_slice %arg4[%dma_start3A_190, %mul3A_2, %dma_start3A_198] : memref<50x4096x128xf32, #tpu.memory_space<hbm>> -> memref<1x128x128xf32, #tpu.memory_space<hbm>>
    %dma_start3A_200 = tpu.memref_squeeze %dma_start3A_199 : memref<1x128x128xf32, #tpu.memory_space<hbm>> -> memref<128x128xf32, #tpu.memory_space<hbm>>
    %dma_start3A_201 = arith.constant 0 : i32
    %dma_start3A_202 = arith.constant 0 : i32
    %dma_start3A_203 = tpu.memref_slice %arg6[%dma_start3A_189, %dma_start3A_201, %dma_start3A_202] : memref<5x128x128xf32, #tpu.memory_space<vmem>> -> memref<1x128x128xf32, #tpu.memory_space<vmem>>
    %dma_start3A_204 = tpu.memref_squeeze %dma_start3A_203 : memref<1x128x128xf32, #tpu.memory_space<vmem>> -> memref<128x128xf32, #tpu.memory_space<vmem>>
    tpu.enqueue_dma source(%dma_start3A_204 : memref<128x128xf32, #tpu.memory_space<vmem>>) target(%dma_start3A_200 : memref<128x128xf32, #tpu.memory_space<hbm>>) target_semaphore(%arg13 : memref<!tpu.dma_semaphore, #tpu.memory_space<semaphore_mem>>)
    %dma_wait3A_205 = arith.constant 0 : i32
    %dma_wait3A_206 = arith.constant 2 : i32
    %dma_wait3A_207 = arith.constant 0 : i32
    %dma_wait3A_208 = arith.constant 0 : i32
    %dma_wait3A_209 = tpu.memref_slice %arg6[%dma_wait3A_206, %dma_wait3A_207, %dma_wait3A_208] : memref<5x128x128xf32, #tpu.memory_space<vmem>> -> memref<1x64x128xf32, #tpu.memory_space<vmem>>
    %dma_wait3A_210 = tpu.memref_squeeze %dma_wait3A_209 : memref<1x64x128xf32, #tpu.memory_space<vmem>> -> memref<64x128xf32, #tpu.memory_space<vmem>>
    %dma_wait3A_211 = arith.constant 0 : i32
    %dma_wait3A_212 = tpu.memref_slice %arg5[%dma_wait3A_205, %dma_wait3A_211] : memref<50x128xi32, #tpu.memory_space<vmem>> -> memref<1x64xi32, #tpu.memory_space<vmem>>
    %dma_wait3A_213 = tpu.memref_squeeze %dma_wait3A_212 : memref<1x64xi32, #tpu.memory_space<vmem>> -> memref<64xi32, #tpu.memory_space<vmem>>
    %dma_wait3A_214 = arith.constant 0 : i32
    %dma_wait3A_215 = arith.constant 0 : i32
    %dma_wait3A_216 = tpu.memref_slice %arg3[%dma_wait3A_214, %dma_wait3A_215] : memref<100000x128xf32, #tpu.memory_space<hbm>> -> memref<100000x128xf32, #tpu.memory_space<hbm>>
    tpu.wait_indirect_dma semaphore(%arg9 : memref<!tpu.dma_semaphore, #tpu.memory_space<semaphore_mem>>) src(%dma_wait3A_216 : memref<100000x128xf32, #tpu.memory_space<hbm>>) dst(%dma_wait3A_210 : memref<64x128xf32, #tpu.memory_space<vmem>>)
    %dma_wait3A_217 = arith.constant 0 : i32
    %dma_wait3A_218 = arith.constant 2 : i32
    %dma_wait3A_219 = arith.constant 64 : i32
    %dma_wait3A_220 = arith.constant 0 : i32
    %dma_wait3A_221 = tpu.memref_slice %arg6[%dma_wait3A_218, %dma_wait3A_219, %dma_wait3A_220] : memref<5x128x128xf32, #tpu.memory_space<vmem>> -> memref<1x64x128xf32, #tpu.memory_space<vmem>>
    %dma_wait3A_222 = tpu.memref_squeeze %dma_wait3A_221 : memref<1x64x128xf32, #tpu.memory_space<vmem>> -> memref<64x128xf32, #tpu.memory_space<vmem>>
    %dma_wait3A_223 = arith.constant 0 : i32
    %dma_wait3A_224 = tpu.memref_slice %arg5[%dma_wait3A_217, %dma_wait3A_223] : memref<50x128xi32, #tpu.memory_space<vmem>> -> memref<1x64xi32, #tpu.memory_space<vmem>>
    %dma_wait3A_225 = tpu.memref_squeeze %dma_wait3A_224 : memref<1x64xi32, #tpu.memory_space<vmem>> -> memref<64xi32, #tpu.memory_space<vmem>>
    %dma_wait3A_226 = arith.constant 0 : i32
    %dma_wait3A_227 = arith.constant 0 : i32
    %dma_wait3A_228 = tpu.memref_slice %arg3[%dma_wait3A_226, %dma_wait3A_227] : memref<100000x128xf32, #tpu.memory_space<hbm>> -> memref<100000x128xf32, #tpu.memory_space<hbm>>
    tpu.wait_indirect_dma semaphore(%arg9 : memref<!tpu.dma_semaphore, #tpu.memory_space<semaphore_mem>>) src(%dma_wait3A_228 : memref<100000x128xf32, #tpu.memory_space<hbm>>) dst(%dma_wait3A_222 : memref<64x128xf32, #tpu.memory_space<vmem>>)
    %dma_start3A_229 = arith.constant 2 : i32
    %dma_start3A_230 = arith.constant 47 : i32
    %dma_start3A_231 = arith.constant 0 : i32
    %dma_start3A_232 = arith.constant 0 : i32
    %dma_start3A_233 = tpu.memref_slice %arg6[%dma_start3A_229, %dma_start3A_231, %dma_start3A_232] : memref<5x128x128xf32, #tpu.memory_space<vmem>> -> memref<1x128x128xf32, #tpu.memory_space<vmem>>
    %dma_start3A_234 = tpu.memref_squeeze %dma_start3A_233 : memref<1x128x128xf32, #tpu.memory_space<vmem>> -> memref<128x128xf32, #tpu.memory_space<vmem>>
    %dma_start3A_235 = arith.constant 0 : i32
    %dma_start3A_236 = tpu.memref_slice %arg4[%dma_start3A_230, %mul3A_2, %dma_start3A_235] : memref<50x4096x128xf32, #tpu.memory_space<hbm>> -> memref<1x128x128xf32, #tpu.memory_space<hbm>>
    %dma_start3A_237 = tpu.memref_squeeze %dma_start3A_236 : memref<1x128x128xf32, #tpu.memory_space<hbm>> -> memref<128x128xf32, #tpu.memory_space<hbm>>
    %dma_start3A_238 = arith.constant 0 : i32
    %dma_start3A_239 = tpu.memref_slice %arg4[%dma_start3A_230, %mul3A_2, %dma_start3A_238] : memref<50x4096x128xf32, #tpu.memory_space<hbm>> -> memref<1x128x128xf32, #tpu.memory_space<hbm>>
    %dma_start3A_240 = tpu.memref_squeeze %dma_start3A_239 : memref<1x128x128xf32, #tpu.memory_space<hbm>> -> memref<128x128xf32, #tpu.memory_space<hbm>>
    %dma_start3A_241 = arith.constant 0 : i32
    %dma_start3A_242 = arith.constant 0 : i32
    %dma_start3A_243 = tpu.memref_slice %arg6[%dma_start3A_229, %dma_start3A_241, %dma_start3A_242] : memref<5x128x128xf32, #tpu.memory_space<vmem>> -> memref<1x128x128xf32, #tpu.memory_space<vmem>>
    %dma_start3A_244 = tpu.memref_squeeze %dma_start3A_243 : memref<1x128x128xf32, #tpu.memory_space<vmem>> -> memref<128x128xf32, #tpu.memory_space<vmem>>
    tpu.enqueue_dma source(%dma_start3A_244 : memref<128x128xf32, #tpu.memory_space<vmem>>) target(%dma_start3A_240 : memref<128x128xf32, #tpu.memory_space<hbm>>) target_semaphore(%arg14 : memref<!tpu.dma_semaphore, #tpu.memory_space<semaphore_mem>>)
    %dma_wait3A_245 = arith.constant 0 : i32
    %dma_wait3A_246 = arith.constant 3 : i32
    %dma_wait3A_247 = arith.constant 0 : i32
    %dma_wait3A_248 = arith.constant 0 : i32
    %dma_wait3A_249 = tpu.memref_slice %arg6[%dma_wait3A_246, %dma_wait3A_247, %dma_wait3A_248] : memref<5x128x128xf32, #tpu.memory_space<vmem>> -> memref<1x64x128xf32, #tpu.memory_space<vmem>>
    %dma_wait3A_250 = tpu.memref_squeeze %dma_wait3A_249 : memref<1x64x128xf32, #tpu.memory_space<vmem>> -> memref<64x128xf32, #tpu.memory_space<vmem>>
    %dma_wait3A_251 = arith.constant 0 : i32
    %dma_wait3A_252 = tpu.memref_slice %arg5[%dma_wait3A_245, %dma_wait3A_251] : memref<50x128xi32, #tpu.memory_space<vmem>> -> memref<1x64xi32, #tpu.memory_space<vmem>>
    %dma_wait3A_253 = tpu.memref_squeeze %dma_wait3A_252 : memref<1x64xi32, #tpu.memory_space<vmem>> -> memref<64xi32, #tpu.memory_space<vmem>>
    %dma_wait3A_254 = arith.constant 0 : i32
    %dma_wait3A_255 = arith.constant 0 : i32
    %dma_wait3A_256 = tpu.memref_slice %arg3[%dma_wait3A_254, %dma_wait3A_255] : memref<100000x128xf32, #tpu.memory_space<hbm>> -> memref<100000x128xf32, #tpu.memory_space<hbm>>
    tpu.wait_indirect_dma semaphore(%arg10 : memref<!tpu.dma_semaphore, #tpu.memory_space<semaphore_mem>>) src(%dma_wait3A_256 : memref<100000x128xf32, #tpu.memory_space<hbm>>) dst(%dma_wait3A_250 : memref<64x128xf32, #tpu.memory_space<vmem>>)
    %dma_wait3A_257 = arith.constant 0 : i32
    %dma_wait3A_258 = arith.constant 3 : i32
    %dma_wait3A_259 = arith.constant 64 : i32
    %dma_wait3A_260 = arith.constant 0 : i32
    %dma_wait3A_261 = tpu.memref_slice %arg6[%dma_wait3A_258, %dma_wait3A_259, %dma_wait3A_260] : memref<5x128x128xf32, #tpu.memory_space<vmem>> -> memref<1x64x128xf32, #tpu.memory_space<vmem>>
    %dma_wait3A_262 = tpu.memref_squeeze %dma_wait3A_261 : memref<1x64x128xf32, #tpu.memory_space<vmem>> -> memref<64x128xf32, #tpu.memory_space<vmem>>
    %dma_wait3A_263 = arith.constant 0 : i32
    %dma_wait3A_264 = tpu.memref_slice %arg5[%dma_wait3A_257, %dma_wait3A_263] : memref<50x128xi32, #tpu.memory_space<vmem>> -> memref<1x64xi32, #tpu.memory_space<vmem>>
    %dma_wait3A_265 = tpu.memref_squeeze %dma_wait3A_264 : memref<1x64xi32, #tpu.memory_space<vmem>> -> memref<64xi32, #tpu.memory_space<vmem>>
    %dma_wait3A_266 = arith.constant 0 : i32
    %dma_wait3A_267 = arith.constant 0 : i32
    %dma_wait3A_268 = tpu.memref_slice %arg3[%dma_wait3A_266, %dma_wait3A_267] : memref<100000x128xf32, #tpu.memory_space<hbm>> -> memref<100000x128xf32, #tpu.memory_space<hbm>>
    tpu.wait_indirect_dma semaphore(%arg10 : memref<!tpu.dma_semaphore, #tpu.memory_space<semaphore_mem>>) src(%dma_wait3A_268 : memref<100000x128xf32, #tpu.memory_space<hbm>>) dst(%dma_wait3A_262 : memref<64x128xf32, #tpu.memory_space<vmem>>)
    %dma_start3A_269 = arith.constant 3 : i32
    %dma_start3A_270 = arith.constant 48 : i32
    %dma_start3A_271 = arith.constant 0 : i32
    %dma_start3A_272 = arith.constant 0 : i32
    %dma_start3A_273 = tpu.memref_slice %arg6[%dma_start3A_269, %dma_start3A_271, %dma_start3A_272] : memref<5x128x128xf32, #tpu.memory_space<vmem>> -> memref<1x128x128xf32, #tpu.memory_space<vmem>>
    %dma_start3A_274 = tpu.memref_squeeze %dma_start3A_273 : memref<1x128x128xf32, #tpu.memory_space<vmem>> -> memref<128x128xf32, #tpu.memory_space<vmem>>
    %dma_start3A_275 = arith.constant 0 : i32
    %dma_start3A_276 = tpu.memref_slice %arg4[%dma_start3A_270, %mul3A_2, %dma_start3A_275] : memref<50x4096x128xf32, #tpu.memory_space<hbm>> -> memref<1x128x128xf32, #tpu.memory_space<hbm>>
    %dma_start3A_277 = tpu.memref_squeeze %dma_start3A_276 : memref<1x128x128xf32, #tpu.memory_space<hbm>> -> memref<128x128xf32, #tpu.memory_space<hbm>>
    %dma_start3A_278 = arith.constant 0 : i32
    %dma_start3A_279 = tpu.memref_slice %arg4[%dma_start3A_270, %mul3A_2, %dma_start3A_278] : memref<50x4096x128xf32, #tpu.memory_space<hbm>> -> memref<1x128x128xf32, #tpu.memory_space<hbm>>
    %dma_start3A_280 = tpu.memref_squeeze %dma_start3A_279 : memref<1x128x128xf32, #tpu.memory_space<hbm>> -> memref<128x128xf32, #tpu.memory_space<hbm>>
    %dma_start3A_281 = arith.constant 0 : i32
    %dma_start3A_282 = arith.constant 0 : i32
    %dma_start3A_283 = tpu.memref_slice %arg6[%dma_start3A_269, %dma_start3A_281, %dma_start3A_282] : memref<5x128x128xf32, #tpu.memory_space<vmem>> -> memref<1x128x128xf32, #tpu.memory_space<vmem>>
    %dma_start3A_284 = tpu.memref_squeeze %dma_start3A_283 : memref<1x128x128xf32, #tpu.memory_space<vmem>> -> memref<128x128xf32, #tpu.memory_space<vmem>>
    tpu.enqueue_dma source(%dma_start3A_284 : memref<128x128xf32, #tpu.memory_space<vmem>>) target(%dma_start3A_280 : memref<128x128xf32, #tpu.memory_space<hbm>>) target_semaphore(%arg15 : memref<!tpu.dma_semaphore, #tpu.memory_space<semaphore_mem>>)
    %dma_wait3A_285 = arith.constant 0 : i32
    %dma_wait3A_286 = arith.constant 4 : i32
    %dma_wait3A_287 = arith.constant 0 : i32
    %dma_wait3A_288 = arith.constant 0 : i32
    %dma_wait3A_289 = tpu.memref_slice %arg6[%dma_wait3A_286, %dma_wait3A_287, %dma_wait3A_288] : memref<5x128x128xf32, #tpu.memory_space<vmem>> -> memref<1x64x128xf32, #tpu.memory_space<vmem>>
    %dma_wait3A_290 = tpu.memref_squeeze %dma_wait3A_289 : memref<1x64x128xf32, #tpu.memory_space<vmem>> -> memref<64x128xf32, #tpu.memory_space<vmem>>
    %dma_wait3A_291 = arith.constant 0 : i32
    %dma_wait3A_292 = tpu.memref_slice %arg5[%dma_wait3A_285, %dma_wait3A_291] : memref<50x128xi32, #tpu.memory_space<vmem>> -> memref<1x64xi32, #tpu.memory_space<vmem>>
    %dma_wait3A_293 = tpu.memref_squeeze %dma_wait3A_292 : memref<1x64xi32, #tpu.memory_space<vmem>> -> memref<64xi32, #tpu.memory_space<vmem>>
    %dma_wait3A_294 = arith.constant 0 : i32
    %dma_wait3A_295 = arith.constant 0 : i32
    %dma_wait3A_296 = tpu.memref_slice %arg3[%dma_wait3A_294, %dma_wait3A_295] : memref<100000x128xf32, #tpu.memory_space<hbm>> -> memref<100000x128xf32, #tpu.memory_space<hbm>>
    tpu.wait_indirect_dma semaphore(%arg11 : memref<!tpu.dma_semaphore, #tpu.memory_space<semaphore_mem>>) src(%dma_wait3A_296 : memref<100000x128xf32, #tpu.memory_space<hbm>>) dst(%dma_wait3A_290 : memref<64x128xf32, #tpu.memory_space<vmem>>)
    %dma_wait3A_297 = arith.constant 0 : i32
    %dma_wait3A_298 = arith.constant 4 : i32
    %dma_wait3A_299 = arith.constant 64 : i32
    %dma_wait3A_300 = arith.constant 0 : i32
    %dma_wait3A_301 = tpu.memref_slice %arg6[%dma_wait3A_298, %dma_wait3A_299, %dma_wait3A_300] : memref<5x128x128xf32, #tpu.memory_space<vmem>> -> memref<1x64x128xf32, #tpu.memory_space<vmem>>
    %dma_wait3A_302 = tpu.memref_squeeze %dma_wait3A_301 : memref<1x64x128xf32, #tpu.memory_space<vmem>> -> memref<64x128xf32, #tpu.memory_space<vmem>>
    %dma_wait3A_303 = arith.constant 0 : i32
    %dma_wait3A_304 = tpu.memref_slice %arg5[%dma_wait3A_297, %dma_wait3A_303] : memref<50x128xi32, #tpu.memory_space<vmem>> -> memref<1x64xi32, #tpu.memory_space<vmem>>
    %dma_wait3A_305 = tpu.memref_squeeze %dma_wait3A_304 : memref<1x64xi32, #tpu.memory_space<vmem>> -> memref<64xi32, #tpu.memory_space<vmem>>
    %dma_wait3A_306 = arith.constant 0 : i32
    %dma_wait3A_307 = arith.constant 0 : i32
    %dma_wait3A_308 = tpu.memref_slice %arg3[%dma_wait3A_306, %dma_wait3A_307] : memref<100000x128xf32, #tpu.memory_space<hbm>> -> memref<100000x128xf32, #tpu.memory_space<hbm>>
    tpu.wait_indirect_dma semaphore(%arg11 : memref<!tpu.dma_semaphore, #tpu.memory_space<semaphore_mem>>) src(%dma_wait3A_308 : memref<100000x128xf32, #tpu.memory_space<hbm>>) dst(%dma_wait3A_302 : memref<64x128xf32, #tpu.memory_space<vmem>>)
    %dma_start3A_309 = arith.constant 4 : i32
    %dma_start3A_310 = arith.constant 49 : i32
    %dma_start3A_311 = arith.constant 0 : i32
    %dma_start3A_312 = arith.constant 0 : i32
    %dma_start3A_313 = tpu.memref_slice %arg6[%dma_start3A_309, %dma_start3A_311, %dma_start3A_312] : memref<5x128x128xf32, #tpu.memory_space<vmem>> -> memref<1x128x128xf32, #tpu.memory_space<vmem>>
    %dma_start3A_314 = tpu.memref_squeeze %dma_start3A_313 : memref<1x128x128xf32, #tpu.memory_space<vmem>> -> memref<128x128xf32, #tpu.memory_space<vmem>>
    %dma_start3A_315 = arith.constant 0 : i32
    %dma_start3A_316 = tpu.memref_slice %arg4[%dma_start3A_310, %mul3A_2, %dma_start3A_315] : memref<50x4096x128xf32, #tpu.memory_space<hbm>> -> memref<1x128x128xf32, #tpu.memory_space<hbm>>
    %dma_start3A_317 = tpu.memref_squeeze %dma_start3A_316 : memref<1x128x128xf32, #tpu.memory_space<hbm>> -> memref<128x128xf32, #tpu.memory_space<hbm>>
    %dma_start3A_318 = arith.constant 0 : i32
    %dma_start3A_319 = tpu.memref_slice %arg4[%dma_start3A_310, %mul3A_2, %dma_start3A_318] : memref<50x4096x128xf32, #tpu.memory_space<hbm>> -> memref<1x128x128xf32, #tpu.memory_space<hbm>>
    %dma_start3A_320 = tpu.memref_squeeze %dma_start3A_319 : memref<1x128x128xf32, #tpu.memory_space<hbm>> -> memref<128x128xf32, #tpu.memory_space<hbm>>
    %dma_start3A_321 = arith.constant 0 : i32
    %dma_start3A_322 = arith.constant 0 : i32
    %dma_start3A_323 = tpu.memref_slice %arg6[%dma_start3A_309, %dma_start3A_321, %dma_start3A_322] : memref<5x128x128xf32, #tpu.memory_space<vmem>> -> memref<1x128x128xf32, #tpu.memory_space<vmem>>
    %dma_start3A_324 = tpu.memref_squeeze %dma_start3A_323 : memref<1x128x128xf32, #tpu.memory_space<vmem>> -> memref<128x128xf32, #tpu.memory_space<vmem>>
    tpu.enqueue_dma source(%dma_start3A_324 : memref<128x128xf32, #tpu.memory_space<vmem>>) target(%dma_start3A_320 : memref<128x128xf32, #tpu.memory_space<hbm>>) target_semaphore(%arg16 : memref<!tpu.dma_semaphore, #tpu.memory_space<semaphore_mem>>)
    %dma_wait3A_325 = arith.constant 0 : i32
    %dma_wait3A_326 = arith.constant 0 : i32
    %dma_wait3A_327 = arith.constant 0 : i32
    %dma_wait3A_328 = arith.constant 0 : i32
    %dma_wait3A_329 = tpu.memref_slice %arg6[%dma_wait3A_325, %dma_wait3A_327, %dma_wait3A_328] : memref<5x128x128xf32, #tpu.memory_space<vmem>> -> memref<1x128x128xf32, #tpu.memory_space<vmem>>
    %dma_wait3A_330 = tpu.memref_squeeze %dma_wait3A_329 : memref<1x128x128xf32, #tpu.memory_space<vmem>> -> memref<128x128xf32, #tpu.memory_space<vmem>>
    %dma_wait3A_331 = arith.constant 0 : i32
    %dma_wait3A_332 = tpu.memref_slice %arg4[%dma_wait3A_326, %mul3A_2, %dma_wait3A_331] : memref<50x4096x128xf32, #tpu.memory_space<hbm>> -> memref<1x128x128xf32, #tpu.memory_space<hbm>>
    %dma_wait3A_333 = tpu.memref_squeeze %dma_wait3A_332 : memref<1x128x128xf32, #tpu.memory_space<hbm>> -> memref<128x128xf32, #tpu.memory_space<hbm>>
    %dma_wait3A_334 = arith.constant 0 : i32
    %dma_wait3A_335 = tpu.memref_slice %arg4[%dma_wait3A_326, %mul3A_2, %dma_wait3A_334] : memref<50x4096x128xf32, #tpu.memory_space<hbm>> -> memref<1x128x128xf32, #tpu.memory_space<hbm>>
    %dma_wait3A_336 = tpu.memref_squeeze %dma_wait3A_335 : memref<1x128x128xf32, #tpu.memory_space<hbm>> -> memref<128x128xf32, #tpu.memory_space<hbm>>
    %dma_wait3A_337 = arith.constant 0 : i32
    %dma_wait3A_338 = arith.constant 0 : i32
    %dma_wait3A_339 = tpu.memref_slice %arg6[%dma_wait3A_325, %dma_wait3A_337, %dma_wait3A_338] : memref<5x128x128xf32, #tpu.memory_space<vmem>> -> memref<1x128x128xf32, #tpu.memory_space<vmem>>
    %dma_wait3A_340 = tpu.memref_squeeze %dma_wait3A_339 : memref<1x128x128xf32, #tpu.memory_space<vmem>> -> memref<128x128xf32, #tpu.memory_space<vmem>>
    tpu.wait_dma2 semaphore(%arg12 : memref<!tpu.dma_semaphore, #tpu.memory_space<semaphore_mem>>) src(%dma_wait3A_340 : memref<128x128xf32, #tpu.memory_space<vmem>>) dst(%dma_wait3A_336 : memref<128x128xf32, #tpu.memory_space<hbm>>)
    %dma_wait3A_341 = arith.constant 1 : i32
    %dma_wait3A_342 = arith.constant 0 : i32
    %dma_wait3A_343 = arith.constant 0 : i32
    %dma_wait3A_344 = arith.constant 0 : i32
    %dma_wait3A_345 = tpu.memref_slice %arg6[%dma_wait3A_341, %dma_wait3A_343, %dma_wait3A_344] : memref<5x128x128xf32, #tpu.memory_space<vmem>> -> memref<1x128x128xf32, #tpu.memory_space<vmem>>
    %dma_wait3A_346 = tpu.memref_squeeze %dma_wait3A_345 : memref<1x128x128xf32, #tpu.memory_space<vmem>> -> memref<128x128xf32, #tpu.memory_space<vmem>>
    %dma_wait3A_347 = arith.constant 0 : i32
    %dma_wait3A_348 = tpu.memref_slice %arg4[%dma_wait3A_342, %mul3A_2, %dma_wait3A_347] : memref<50x4096x128xf32, #tpu.memory_space<hbm>> -> memref<1x128x128xf32, #tpu.memory_space<hbm>>
    %dma_wait3A_349 = tpu.memref_squeeze %dma_wait3A_348 : memref<1x128x128xf32, #tpu.memory_space<hbm>> -> memref<128x128xf32, #tpu.memory_space<hbm>>
    %dma_wait3A_350 = arith.constant 0 : i32
    %dma_wait3A_351 = tpu.memref_slice %arg4[%dma_wait3A_342, %mul3A_2, %dma_wait3A_350] : memref<50x4096x128xf32, #tpu.memory_space<hbm>> -> memref<1x128x128xf32, #tpu.memory_space<hbm>>
    %dma_wait3A_352 = tpu.memref_squeeze %dma_wait3A_351 : memref<1x128x128xf32, #tpu.memory_space<hbm>> -> memref<128x128xf32, #tpu.memory_space<hbm>>
    %dma_wait3A_353 = arith.constant 0 : i32
    %dma_wait3A_354 = arith.constant 0 : i32
    %dma_wait3A_355 = tpu.memref_slice %arg6[%dma_wait3A_341, %dma_wait3A_353, %dma_wait3A_354] : memref<5x128x128xf32, #tpu.memory_space<vmem>> -> memref<1x128x128xf32, #tpu.memory_space<vmem>>
    %dma_wait3A_356 = tpu.memref_squeeze %dma_wait3A_355 : memref<1x128x128xf32, #tpu.memory_space<vmem>> -> memref<128x128xf32, #tpu.memory_space<vmem>>
    tpu.wait_dma2 semaphore(%arg13 : memref<!tpu.dma_semaphore, #tpu.memory_space<semaphore_mem>>) src(%dma_wait3A_356 : memref<128x128xf32, #tpu.memory_space<vmem>>) dst(%dma_wait3A_352 : memref<128x128xf32, #tpu.memory_space<hbm>>)
    %dma_wait3A_357 = arith.constant 2 : i32
    %dma_wait3A_358 = arith.constant 0 : i32
    %dma_wait3A_359 = arith.constant 0 : i32
    %dma_wait3A_360 = arith.constant 0 : i32
    %dma_wait3A_361 = tpu.memref_slice %arg6[%dma_wait3A_357, %dma_wait3A_359, %dma_wait3A_360] : memref<5x128x128xf32, #tpu.memory_space<vmem>> -> memref<1x128x128xf32, #tpu.memory_space<vmem>>
    %dma_wait3A_362 = tpu.memref_squeeze %dma_wait3A_361 : memref<1x128x128xf32, #tpu.memory_space<vmem>> -> memref<128x128xf32, #tpu.memory_space<vmem>>
    %dma_wait3A_363 = arith.constant 0 : i32
    %dma_wait3A_364 = tpu.memref_slice %arg4[%dma_wait3A_358, %mul3A_2, %dma_wait3A_363] : memref<50x4096x128xf32, #tpu.memory_space<hbm>> -> memref<1x128x128xf32, #tpu.memory_space<hbm>>
    %dma_wait3A_365 = tpu.memref_squeeze %dma_wait3A_364 : memref<1x128x128xf32, #tpu.memory_space<hbm>> -> memref<128x128xf32, #tpu.memory_space<hbm>>
    %dma_wait3A_366 = arith.constant 0 : i32
    %dma_wait3A_367 = tpu.memref_slice %arg4[%dma_wait3A_358, %mul3A_2, %dma_wait3A_366] : memref<50x4096x128xf32, #tpu.memory_space<hbm>> -> memref<1x128x128xf32, #tpu.memory_space<hbm>>
    %dma_wait3A_368 = tpu.memref_squeeze %dma_wait3A_367 : memref<1x128x128xf32, #tpu.memory_space<hbm>> -> memref<128x128xf32, #tpu.memory_space<hbm>>
    %dma_wait3A_369 = arith.constant 0 : i32
    %dma_wait3A_370 = arith.constant 0 : i32
    %dma_wait3A_371 = tpu.memref_slice %arg6[%dma_wait3A_357, %dma_wait3A_369, %dma_wait3A_370] : memref<5x128x128xf32, #tpu.memory_space<vmem>> -> memref<1x128x128xf32, #tpu.memory_space<vmem>>
    %dma_wait3A_372 = tpu.memref_squeeze %dma_wait3A_371 : memref<1x128x128xf32, #tpu.memory_space<vmem>> -> memref<128x128xf32, #tpu.memory_space<vmem>>
    tpu.wait_dma2 semaphore(%arg14 : memref<!tpu.dma_semaphore, #tpu.memory_space<semaphore_mem>>) src(%dma_wait3A_372 : memref<128x128xf32, #tpu.memory_space<vmem>>) dst(%dma_wait3A_368 : memref<128x128xf32, #tpu.memory_space<hbm>>)
    %dma_wait3A_373 = arith.constant 3 : i32
    %dma_wait3A_374 = arith.constant 0 : i32
    %dma_wait3A_375 = arith.constant 0 : i32
    %dma_wait3A_376 = arith.constant 0 : i32
    %dma_wait3A_377 = tpu.memref_slice %arg6[%dma_wait3A_373, %dma_wait3A_375, %dma_wait3A_376] : memref<5x128x128xf32, #tpu.memory_space<vmem>> -> memref<1x128x128xf32, #tpu.memory_space<vmem>>
    %dma_wait3A_378 = tpu.memref_squeeze %dma_wait3A_377 : memref<1x128x128xf32, #tpu.memory_space<vmem>> -> memref<128x128xf32, #tpu.memory_space<vmem>>
    %dma_wait3A_379 = arith.constant 0 : i32
    %dma_wait3A_380 = tpu.memref_slice %arg4[%dma_wait3A_374, %mul3A_2, %dma_wait3A_379] : memref<50x4096x128xf32, #tpu.memory_space<hbm>> -> memref<1x128x128xf32, #tpu.memory_space<hbm>>
    %dma_wait3A_381 = tpu.memref_squeeze %dma_wait3A_380 : memref<1x128x128xf32, #tpu.memory_space<hbm>> -> memref<128x128xf32, #tpu.memory_space<hbm>>
    %dma_wait3A_382 = arith.constant 0 : i32
    %dma_wait3A_383 = tpu.memref_slice %arg4[%dma_wait3A_374, %mul3A_2, %dma_wait3A_382] : memref<50x4096x128xf32, #tpu.memory_space<hbm>> -> memref<1x128x128xf32, #tpu.memory_space<hbm>>
    %dma_wait3A_384 = tpu.memref_squeeze %dma_wait3A_383 : memref<1x128x128xf32, #tpu.memory_space<hbm>> -> memref<128x128xf32, #tpu.memory_space<hbm>>
    %dma_wait3A_385 = arith.constant 0 : i32
    %dma_wait3A_386 = arith.constant 0 : i32
    %dma_wait3A_387 = tpu.memref_slice %arg6[%dma_wait3A_373, %dma_wait3A_385, %dma_wait3A_386] : memref<5x128x128xf32, #tpu.memory_space<vmem>> -> memref<1x128x128xf32, #tpu.memory_space<vmem>>
    %dma_wait3A_388 = tpu.memref_squeeze %dma_wait3A_387 : memref<1x128x128xf32, #tpu.memory_space<vmem>> -> memref<128x128xf32, #tpu.memory_space<vmem>>
    tpu.wait_dma2 semaphore(%arg15 : memref<!tpu.dma_semaphore, #tpu.memory_space<semaphore_mem>>) src(%dma_wait3A_388 : memref<128x128xf32, #tpu.memory_space<vmem>>) dst(%dma_wait3A_384 : memref<128x128xf32, #tpu.memory_space<hbm>>)
    %dma_wait3A_389 = arith.constant 4 : i32
    %dma_wait3A_390 = arith.constant 0 : i32
    %dma_wait3A_391 = arith.constant 0 : i32
    %dma_wait3A_392 = arith.constant 0 : i32
    %dma_wait3A_393 = tpu.memref_slice %arg6[%dma_wait3A_389, %dma_wait3A_391, %dma_wait3A_392] : memref<5x128x128xf32, #tpu.memory_space<vmem>> -> memref<1x128x128xf32, #tpu.memory_space<vmem>>
    %dma_wait3A_394 = tpu.memref_squeeze %dma_wait3A_393 : memref<1x128x128xf32, #tpu.memory_space<vmem>> -> memref<128x128xf32, #tpu.memory_space<vmem>>
    %dma_wait3A_395 = arith.constant 0 : i32
    %dma_wait3A_396 = tpu.memref_slice %arg4[%dma_wait3A_390, %mul3A_2, %dma_wait3A_395] : memref<50x4096x128xf32, #tpu.memory_space<hbm>> -> memref<1x128x128xf32, #tpu.memory_space<hbm>>
    %dma_wait3A_397 = tpu.memref_squeeze %dma_wait3A_396 : memref<1x128x128xf32, #tpu.memory_space<hbm>> -> memref<128x128xf32, #tpu.memory_space<hbm>>
    %dma_wait3A_398 = arith.constant 0 : i32
    %dma_wait3A_399 = tpu.memref_slice %arg4[%dma_wait3A_390, %mul3A_2, %dma_wait3A_398] : memref<50x4096x128xf32, #tpu.memory_space<hbm>> -> memref<1x128x128xf32, #tpu.memory_space<hbm>>
    %dma_wait3A_400 = tpu.memref_squeeze %dma_wait3A_399 : memref<1x128x128xf32, #tpu.memory_space<hbm>> -> memref<128x128xf32, #tpu.memory_space<hbm>>
    %dma_wait3A_401 = arith.constant 0 : i32
    %dma_wait3A_402 = arith.constant 0 : i32
    %dma_wait3A_403 = tpu.memref_slice %arg6[%dma_wait3A_389, %dma_wait3A_401, %dma_wait3A_402] : memref<5x128x128xf32, #tpu.memory_space<vmem>> -> memref<1x128x128xf32, #tpu.memory_space<vmem>>
    %dma_wait3A_404 = tpu.memref_squeeze %dma_wait3A_403 : memref<1x128x128xf32, #tpu.memory_space<vmem>> -> memref<128x128xf32, #tpu.memory_space<vmem>>
    tpu.wait_dma2 semaphore(%arg16 : memref<!tpu.dma_semaphore, #tpu.memory_space<semaphore_mem>>) src(%dma_wait3A_404 : memref<128x128xf32, #tpu.memory_space<vmem>>) dst(%dma_wait3A_400 : memref<128x128xf32, #tpu.memory_space<hbm>>)
    return
  }
}

</mosaic_0001>

<sc_bundles>
// kernel: kernel.3.cloned.1.call-start
scs
__scs_entry_jumppad:
0x0: {  	(pc) =	sbr.rel $0x88, $3  }
0x1: {  	(tag) =	ssettag $0x0;
	lr =	simm.s32 $0x1  }
0x2: {  	[smem:$0x3F9F] =	sst lr;
	_ =	strace $0xD0000000  }
0x3: {  	_ = 	snop  }
0x4: {  	_ = 	snop  }
0x5: {  	_ = 	snop  }
0x6: {  	_ = 	snop  }
0x7: {  	_ = 	snop  }
__scs_overlays_trampoline_lowered:
0x8: {  	[smem:$0x3FAE] =	sst s0  }
0x9: {  	[smem:$0x3FAF] =	sst s1  }
0xa: {  	[smem:$0x3FB0] =	sst s2  }
0xb: {  	[smem:$0x3FB1] =	sst s3  }
0xc: {  	[smem:$0x3FB2] =	sst s4  }
0xd: {  	[smem:$0x3FB3] =	sst s5  }
0xe: {  	[smem:$0x3FB4] =	sst s6  }
0xf: {  	[smem:$0x3FB5] =	sst s7  }
0x10: {  	[smem:$0x3FB6] =	sst s8  }
0x11: {  	[smem:$0x3FB7] =	sst s9;
	s0 =	simm.s32 @!p0 $0x0  }
0x12: {  	s1 =	sld [smem:$0x3F9D];
	s0 =	simm.s32 @p0 $0x1  }
0x13: {  	[smem:$0x3FB8] =	sst s0;
	s0 =	simm.s32 @!p1 $0x0  }
0x14: {  	s2 =	sld [smem:$0x3F9C];
	s0 =	simm.s32 @p1 $0x1  }
0x15: {  	[smem:$0x3FB9] =	sst s0;
	s0 =	simm.s32 @!p2 $0x0  }
0x16: {  	s3 =	sld [smem:$0x3FDB];
	s0 =	simm.s32 @p2 $0x1  }
0x17: {  	s4 =	simm.s32 $0x1BF5;
	[smem:$0x3FBB] =	sst s0  }
0x18: {  	s0 =	sld [smem:$0x3F9E];
	_ =	swait.ge [sflag:s4], $0x0  }
0x19: {  	s7 =	sld [smem:$0x3F9F]  }
0x1a: {  	s8 =	sadd.s32 $0xFFFFE003, lr  }
0x1b: {  	s9 =	sadd.s32 $0xFFFFFEF7, lr;
	s5 =	simm.s32 $0xFFFFFFFF;
	p2 =	slt.u32 s8, $0xFFFFF086  }
0x1c: {  	p1 =	slt.u32 s9, $0xF7A;
	s5 =	simm.s32 @!p2 $0x0  }
0x1d: {  	s5 =	simm.s32 @p1 $0x1;
	p0 =	seq.s32 s7, s2  }
0x1e: {  	s7 =	smul.u32 @!p0 $0xF7A, s2;
	p2 =	seq.s32 @!p0 s5, $0x0  }
0x1f: {  	s9 =	smul.u32 $0xF7A, s1;
	s8 =	simm.s32 @!p0 $0x1BF5;
	p2 =	por !p2, p0  }
0x20: {  	[sflag:s8] =	ssyncset.s32 @!p0 $0xFFFFF086;
	s6 =	sadd.s32 @!p0 s3, s7;
	s7 =	simm.s32 @!p0 $0x108  }
0x21: {  	s3 =	sadd.s32 s3, s9;
	s6 =	sadd.s32 @!p0 $0x88, s6;
	s7 =	simm.s32 @p2 $0x1082  }
0x22: {  	[simem:s7], [sflag:s8] =	dma.local @!p0 [hbm:s6], $0xF7A  }
0x23: {  	s9 =	sor.u32 $0xD0000000, s2;
	s6 =	simm.s32 $0x108;
	_ =	swait.ge @!p0 [sflag:s8], $0x0  }
0x24: {  	s3 =	sadd.s32 $0x88, s3;
	s6 =	simm.s32 @!p1 $0x1082;
	[sflag:s4] =	ssyncset.s32 $0xFFFFF086  }
0x25: {  	[simem:s6], [sflag:s4] =	dma.local [hbm:s3], $0xF7A  }
0x26: {  	[smem:$0x3F9F] =	sst s1;
	(tag) =	ssettag s2;
	_ =	strace s9  }
0x27: {  	s1 =	sld [smem:$0x3FAF]  }
0x28: {  	s2 =	sld [smem:$0x3FB0]  }
0x29: {  	s4 =	sld [smem:$0x3FB2]  }
0x2a: {  	p0 =	seq.s32 s5, $0x0;
	s5 =	sld [smem:$0x3FB3]  }
0x2b: {  	s6 =	sld [smem:$0x3FB4]  }
0x2c: {  	s7 =	sld [smem:$0x3FB5]  }
0x2d: {  	s3 =	simm.s32 $0x108;
	s8 =	sld [smem:$0x3FB6]  }
0x2e: {  	s3 =	simm.s32 @!p0 $0x1082;
	s9 =	sld [smem:$0x3FB7]  }
0x2f: {  	lr =	sadd.s32 s0, s3;
	s0 =	sld [smem:$0x3FAE]  }
0x30: {  	s3 =	sld [smem:$0x3FB1]  }
0x31: {  	[smem:$0x3FBA] =	sst s10  }
0x32: {  	s10 =	sld [smem:$0x3FB8];
	_ =	sdelay $0x3  }
0x33: {  	p0 =	seq.s32 s10, $0x1;
	s10 =	sld [smem:$0x3FBA];
	_ =	sdelay $0x3  }
0x34: {  	[smem:$0x3FBA] =	sst s10  }
0x35: {  	s10 =	sld [smem:$0x3FB9];
	_ =	sdelay $0x3  }
0x36: {  	p1 =	seq.s32 s10, $0x1;
	s10 =	sld [smem:$0x3FBA];
	_ =	sdelay $0x3  }
0x37: {  	[smem:$0x3FBA] =	sst s10  }
0x38: {  	s10 =	sld [smem:$0x3FBB]  }
0x39: {  	_ = 	snop;
	(pc) =	sbr.ind lr, $3  }
0x3a: {  	_ = 	snop  }
0x3b: {  	_ = 	snop  }
0x3c: {  	p2 =	seq.s32 s10, $0x1;
	s10 =	sld [smem:$0x3FBA]  }
0x3d: {  	_ =	shalt  }
0x3e: {  	_ =	shalt  }
0x3f: {  	_ =	shalt  }
0x40: {  	_ =	shalt  }
0x41: {  	_ =	shalt  }
0x42: {  	_ =	shalt  }
0x43: {  	_ =	shalt  }
0x44: {  	_ =	shalt  }
0x45: {  	_ =	shalt  }
0x46: {  	_ =	shalt  }
0x47: {  	_ =	shalt  }
0x48: {  	_ =	shalt  }
0x49: {  	_ =	shalt  }
0x4a: {  	_ =	shalt  }
0x4b: {  	_ =	shalt  }
0x4c: {  	_ =	shalt  }
0x4d: {  	_ =	shalt  }
0x4e: {  	_ =	shalt  }
0x4f: {  	_ =	shalt  }
0x50: {  	_ =	shalt  }
0x51: {  	_ =	shalt  }
0x52: {  	_ =	shalt  }
0x53: {  	_ =	shalt  }
0x54: {  	_ =	shalt  }
0x55: {  	_ =	shalt  }
0x56: {  	_ =	shalt  }
0x57: {  	_ =	shalt  }
0x58: {  	_ =	shalt  }
0x59: {  	_ =	shalt  }
0x5a: {  	_ =	shalt  }
0x5b: {  	_ =	shalt  }
0x5c: {  	_ =	shalt  }
0x5d: {  	_ =	shalt  }
0x5e: {  	_ =	shalt  }
0x5f: {  	_ =	shalt  }
0x60: {  	_ =	shalt  }
0x61: {  	_ =	shalt  }
0x62: {  	_ =	shalt  }
0x63: {  	_ =	shalt  }
0x64: {  	_ =	shalt  }
0x65: {  	_ =	shalt  }
0x66: {  	_ =	shalt  }
0x67: {  	_ =	shalt  }
0x68: {  	_ =	shalt  }
0x69: {  	_ =	shalt  }
0x6a: {  	_ =	shalt  }
0x6b: {  	_ =	shalt  }
0x6c: {  	_ =	shalt  }
0x6d: {  	_ =	shalt  }
0x6e: {  	_ =	shalt  }
0x6f: {  	_ =	shalt  }
0x70: {  	_ =	shalt  }
0x71: {  	_ =	shalt  }
0x72: {  	_ =	shalt  }
0x73: {  	_ =	shalt  }
0x74: {  	_ =	shalt  }
0x75: {  	_ =	shalt  }
0x76: {  	_ =	shalt  }
0x77: {  	_ =	shalt  }
0x78: {  	_ =	shalt  }
0x79: {  	_ =	shalt  }
0x7a: {  	_ =	shalt  }
0x7b: {  	_ =	shalt  }
0x7c: {  	_ =	shalt  }
0x7d: {  	_ =	shalt  }
0x7e: {  	_ =	shalt  }
0x7f: {  	_ =	shalt  }
0x80: {  	_ =	shalt  }
0x81: {  	_ =	shalt  }
0x82: {  	_ =	shalt  }
0x83: {  	_ =	shalt  }
0x84: {  	_ =	shalt  }
0x85: {  	_ =	shalt  }
0x86: {  	_ =	shalt  }
0x87: {  	_ =	shalt  }
.Lfunc_end0:
.L_simem_size_0:
called_computation_lowered:
.L_overlay_start_0:
0x88: {  	s2 =	sld [smem:$0x3FD9]  }
0x89: {  	s3 =	sld [smem:$0x3FFE];
	_ =	sdelay $0x1  }
0x8a: {  	s1 =	srdreg.scid  }
0x8b: {  	s0 =	sand.u32 $0x1, s1  }
0x8c: {  	s18 =	sshll.u32 s0, $0xA;
	s2 =	sadd.s32 s3, s2  }
0x8d: {  	s2 =	sadd.s32 s2, s18  }
0x8e: {  	[smem:$0x3FC6] =	sst s2  }
0x8f: {  	_ = 	snop  }
0x90: {  	s2 =	sld [smem:$0x3FC9]  }
0x91: {  	s19 =	sld [smem:$0x3FC8]  }
0x92: {  	s4 =	sld [smem:$0x3FD0];
	(tm) =	ssettm $0x1  }
0x93: {  	s5 =	sld [smem:$0x3FFB];
	_ =	sdelay $0x3  }
0x94: {  	_ =	strace s5  }
0x95: {  	s5 =	sld [smem:$0x3FFC];
	_ =	sdelay $0x3  }
0x96: {  	_ =	strace s5  }
0x97: {  	s5 =	sld [smem:$0x3FFD];
	_ =	sdelay $0x3  }
0x98: {  	_ =	strace s5  }
0x99: {  	_ =	strace $0x8FFFFFFF  }
0x9a: {  	s20 =	sld [smem:$0x3FDB];
	_ =	sdelay $0x1  }
0x9b: {  	s6 =	simm.s32 $_scs_section_size  }
0x9c: {  	s7 =	simm.s32 $_size__tile_overlayer_lowered;
	s8 =	simm.s32 $_tile_overlayer_lowered  }
0x9d: {  	s23 =	simm.s32 $0x1BFF;
	s22 =	sshll.u32 s8, $0x1;
	s5 =	sadd.s32 s6, s20  }
0x9e: {  	s9 =	simm.s32 $0x0;
	s21 =	sshll.u32 s7, $0x1;
	s7 =	sadd.s32 s22, s5  }
0x9f: {  	[timem:s9], [sflag:s23] =	dma.local [hbm:s7], s21  }
0xa0: {  	_ =	swait.ge [sflag:s23], s21  }
0xa1: {  	s6 =	ssub.s32 $0x0, s21;
	[sflag:s23] =	ssyncset.done $0x0  }
0xa2: {  	[sflag:s23] =	ssyncadd.s32 s6;
	_ =	sdelay $0x1  }
0xa3: {  	s24 =	simm.s32 $0x1B8B  }
0xa4: {  	_ =	swait.ge [sflag:s24], $0x1  }
0xa5: {  	[sflag:s24] =	ssyncset.done $0x0  }
0xa6: {  	s25 =	simm.s32 $0x1B8E;
	[sflag:s24] =	ssyncadd.s32 $0xFFFFFFFF  }
0xa7: {  	s26 =	simm.s32 $execute0_lowered;
	[smem:$0x3FD2] =	sst s25  }
0xa8: {  	s6 =	sshll.u32 s26, $0x1;
	_ =	strace $0x80000046;
	[dreg:$0x1] =	wrdreg $0xFFFFFFFF  }
0xa9: {  	s28 =	simm.s32 $_size_execute0_lowered;
	s5 =	sadd.s32 s5, s6;
	[dreg:$0x0] =	wrdreg $0x0  }
0xaa: {  	s6 =	sshll.u32 s28, $0x1;
	[dreg:$0x2] =	wrdreg s5  }
0xab: {  	[dreg:$0x3] =	wrdreg s6  }
0xac: {  	[dreg:$0x4] =	wrdreg $0xC0  }
0xad: {  	_ =	task [dreg:s9], $0x5FFFF  }
0xae: {  	[dreg:$0x1] =	wrdreg $0xFFFFFFFF  }
0xaf: {  	[dreg:$0x0] =	wrdreg $0x60  }
0xb0: {  	[dreg:$0x2] =	wrdreg s2  }
0xb1: {  	[dreg:$0x3] =	wrdreg s19  }
0xb2: {  	[dreg:$0x4] =	wrdreg s4  }
0xb3: {  	[dreg:$0x5] =	wrdreg $0x9  }
0xb4: {  	_ =	task.clear_ibuf [dreg:s9], $0x6FFFF;
	_ =	strace $0x90000046  }
0xb5: {  	s29 =	simm.s32 $0x9;
	_ =	strace $0x80000048  }
0xb6: {  	_ =	swait.ge [sflag:s29], $0x1  }
0xb7: {  	[sflag:s29] =	ssyncadd.s32 $0xFFFFFFFF  }
0xb8: {  	_ =	strace $0x90000048  }
0xb9: {  	_ =	sfence  }
0xba: {  	s30 =	sld [smem:$0x0];
	_ =	sdelay $0x2  }
0xbb: {  	s31 =	sshll.u32 s1, $0xD;
	s1 =	sshrl.u32 s1, $0x2  }
0xbc: {  	s3 =	sand.u32 $0x4000, s31;
	s1 =	sadd.s32 s1, s30  }
0xbd: {  	s0 =	sor.u32 s3, s0;
	s1 =	sshll.u32 s1, $0x11  }
0xbe: {  	s0 =	sor.u32 s1, s0  }
0xbf: {  	s0 =	sadd.s32 $0x8F2B, s0  }
0xc0: {  	[sflag:s0] =	ssyncadd.remote.s32 $0x1  }
0xc1: {  	_ =	sfence.sel $0xFFFF  }
0xc2: {  	[dreg:$0x0] =	wrdreg $0xFFFFFFFF;
	(pc) =	sbr.abs _section_cstart, $3  }
0xc3: {  	[dreg:$0x1] =	wrdreg $0xFFFFFFFF  }
0xc4: {  	_ =	task.clear_ibuf [dreg:s9], $0x2FFFF;
	_ =	strace $0x9FFFFFFF  }
0xc5: {  	(tm) =	ssettm $0x7FFFFFFF  }
tec
execute0_lowered:
.L_overlay_start_1:
0x0: {  	(tag) =	ssettag $0x1  }
0x1: {  	s0 =	rddreg [dreg:$0x0]  }
0x2: {  	s1 =	rddreg [dreg:$0x1]  }
0x3: {  	s2 =	rddreg [dreg:$0x2];
	s4 =	srdreg.scid;
	s3 =	simm.s32 $0x0  }
0x4: {  	s8 =	stileid.u32;
	s28 =	simm.s32 $0x7C00;
	s30 =	simm.s32 $0x9C00  }
0x5: {  	s31 =	simm.s32 $0x13C00;
	s29 =	simm.s32 $0x4;
	s4 =	sand.u32 $0x1, s4  }
0x6: {  	[smem:$0x7FF] =	sst s3;
	s5 =	sshll.u32 s8, $0x8;
	s15 =	sshll.u32 s8, $0xF  }
0x7: {  	s8 =	simm.s32 $0x8;
	s6 =	sshll.u32 s4, $0x7;
	_ =	strace $0x80000047  }
0x8: {  	s7 =	ssub.s32 $0x2, s4;
	s4 =	sshll.u32 s4, $0xE;
	s5 =	sor.u32 s6, s5  }
0x9: {  	s10 =	sshrl.u32 s7, $0x1;
	s4 =	sor.u32 s4, s15;
	s6 =	simm.s32 $0x6  }
0xa: {  	s9 =	sadd.s32 s0, s5;
	s11 =	sshll.u32 s5, $0x4;
	s12 =	ssub.s32 s7, s10  }
0xb: {  	s19 =	sor.u32 $0x200000, s4;
	s20 =	sor.u32 $0x180000, s4;
	s22 =	sor.u32 $0x100000, s4  }
0xc: {  	s24 =	sor.u32 $0x80000, s4;
	s4 =	sshrl.u32 s4, $0x3;
	s7 =	simm.s32 $0x7  }
0xd: {  	[dreg:$0x4] =	wrdreg s9;
	s13 =	sadd.s32 $0x6000, s9;
	s0 =	sadd.s32 s11, s2  }
0xe: {  	s5 =	smax.u32 s12, $0x1;
	s21 =	sshrl.u32 s20, $0x3;
	s23 =	sshrl.u32 s22, $0x3  }
0xf: {  	s25 =	sshrl.u32 s24, $0x3;
	s26 =	sadd.s32 s4, s2;
	[dreg:$0x5] =	wrdreg s13  }
0x10: {  	s22 =	simm.s32 $0x1C00;
	s24 =	simm.s32 $0x3;
	[dreg:$0xb] =	wrdreg s5  }
0x11: {  	s9 =	simm.s32 $0x9;
	s14 =	sadd.s32 $0x2D0000, s0;
	[dreg:$0x10] =	wrdreg s26  }
0x12: {  	s4 =	simm.s32 $0xA;
	s16 =	sadd.s32 $0x2E0000, s0;
	[dreg:$0x6] =	wrdreg s14  }
0x13: {  	s11 =	simm.s32 $0x0;
	s17 =	sadd.s32 $0x2F0000, s0;
	[dreg:$0x7] =	wrdreg s16  }
0x14: {  	s18 =	sadd.s32 $0x300000, s0;
	s0 =	sadd.s32 $0x310000, s0;
	[dreg:$0x8] =	wrdreg s17  }
0x15: {  	s26 =	simm.s32 $0x11C00;
	s5 =	simm.s32 $0x5;
	[dreg:$0x9] =	wrdreg s18  }
0x16: {  	[dreg:$0xa] =	wrdreg s0;
	s0 =	sshrl.u32 s19, $0x3;
	s17 =	simm.s32 $0xDC00  }
0x17: {  	s19 =	simm.s32 $0xFC00;
	s18 =	simm.s32 $0x2;
	s0 =	sadd.s32 s0, s2  }
0x18: {  	[dreg:$0xc] =	wrdreg s0;
	s0 =	sadd.s32 s21, s2;
	s21 =	simm.s32 $0x40  }
0x19: {  	[dreg:$0xd] =	wrdreg s0;
	s0 =	sadd.s32 s23, s2;
	s23 =	simm.s32 $0x3C00  }
0x1a: {  	[dreg:$0xe] =	wrdreg s0;
	s0 =	sadd.s32 s25, s2;
	s25 =	simm.s32 $0x5C00  }
0x1b: {  	s2 =	simm.s32 $0x1;
	[dreg:$0xf] =	wrdreg s0;
	s0 =	simm.s32 $0xBC00  }
.LBB2_1:
0x1c: {  	[dreg:$0x11] =	wrdreg s11  }
0x1d: {  	s10 =	rddreg [dreg:$0x4];
	s20 =	simm.s32 $0x400;
	s12 =	simm.s32 $0x8000  }
0x1e: {  	[tilespmem:s3], [sflag:$0xB] =	stream.strided.gather [hbm4b:s10+s20], $0x1800, s12, s20, $0x38;
	[tilespmem:$0x15C00] =	vst v63  }
0x1f: {  	s13 =	rddreg [dreg:$0x5];
	s14 =	simm.s32 $0x1800;
	s15 =	simm.s32 $0xB  }
0x20: {  	[tilespmem:s14], [sflag:$0xB] =	stream.linear.gather [hbm4b:s13+s3], $0x100, $0x38;
	[tilespmem:$0x15C00] =	vst v63  }
0x21: {  	_ =	swait.ge [sflag:s15], $0x1900  }
0x22: {  	[sflag:s15] =	ssyncset.done $0x0  }
0x23: {  	[sflag:s15] =	ssyncadd.s32 $0xFFFFE700  }
0x24: {  	[tilespmem:s22], [sflag:$0x1] =	stream.indirect.gather [hbm4b:s1+s21], $0x80, s3, s21, $0xb8;
	[tilespmem:$0x15C00] =	vst v63  }
0x25: {  	_ = 	snop  }
0x26: {  	[tilespmem:s23], [sflag:$0x1] =	stream.indirect.gather [hbm4b:s1+s21], $0x80, s21, s21, $0xb8;
	[tilespmem:$0x15C00] =	vst v63  }
0x27: {  	s16 =	simm.s32 $0x80  }
0x28: {  	[tilespmem:s25], [sflag:$0x2] =	stream.indirect.gather [hbm4b:s1+s21], $0x80, s16, s21, $0xb8;
	[tilespmem:$0x15C00] =	vst v63  }
0x29: {  	s20 =	simm.s32 $0xC0  }
0x2a: {  	[tilespmem:s28], [sflag:$0x2] =	stream.indirect.gather [hbm4b:s1+s21], $0x80, s20, s21, $0xb8;
	[tilespmem:$0x15C00] =	vst v63  }
0x2b: {  	s11 =	simm.s32 $0x100  }
0x2c: {  	[tilespmem:s30], [sflag:$0x3] =	stream.indirect.gather [hbm4b:s1+s21], $0x80, s11, s21, $0xb8;
	[tilespmem:$0x15C00] =	vst v63  }
0x2d: {  	s12 =	simm.s32 $0x140  }
0x2e: {  	[tilespmem:s0], [sflag:$0x3] =	stream.indirect.gather [hbm4b:s1+s21], $0x80, s12, s21, $0xb8;
	[tilespmem:$0x15C00] =	vst v63  }
0x2f: {  	s13 =	simm.s32 $0x180  }
0x30: {  	[tilespmem:s17], [sflag:$0x4] =	stream.indirect.gather [hbm4b:s1+s21], $0x80, s13, s21, $0xb8;
	[tilespmem:$0x15C00] =	vst v63  }
0x31: {  	s14 =	simm.s32 $0x1C0  }
0x32: {  	[tilespmem:s19], [sflag:$0x4] =	stream.indirect.gather [hbm4b:s1+s21], $0x80, s14, s21, $0xb8;
	[tilespmem:$0x15C00] =	vst v63  }
0x33: {  	s15 =	simm.s32 $0x200  }
0x34: {  	[tilespmem:s26], [sflag:$0x5] =	stream.indirect.gather [hbm4b:s1+s21], $0x80, s15, s21, $0xb8;
	[tilespmem:$0x15C00] =	vst v63  }
0x35: {  	s16 =	simm.s32 $0x240  }
0x36: {  	[tilespmem:s31], [sflag:$0x5] =	stream.indirect.gather [hbm4b:s1+s21], $0x80, s16, s21, $0xb8;
	[tilespmem:$0x15C00] =	vst v63  }
0x37: {  	_ =	swait.ge [sflag:s2], $0x2000  }
0x38: {  	[sflag:s2] =	ssyncset.done $0x0  }
0x39: {  	[sflag:s2] =	ssyncadd.s32 $0xFFFFE000  }
0x3a: {  	_ =	swait.ge [sflag:s2], $0x2000  }
0x3b: {  	[sflag:s2] =	ssyncset.done $0x0  }
0x3c: {  	s16 =	rddreg [dreg:$0x10];
	[sflag:s2] =	ssyncadd.s32 $0xFFFFE000  }
0x3d: {  	[hbm4b:s16+s3] =	stream.linear.scatter [tilespmem:s22], [sflag:$0x6], $0x4000, $0x38;
	[tilespmem:$0x15C00] =	vst v63  }
0x3e: {  	_ =	swait.ge [sflag:s18], $0x2000  }
0x3f: {  	[sflag:s18] =	ssyncset.done $0x0  }
0x40: {  	[sflag:s18] =	ssyncadd.s32 $0xFFFFE000  }
0x41: {  	_ =	swait.ge [sflag:s18], $0x2000  }
0x42: {  	[sflag:s18] =	ssyncset.done $0x0  }
0x43: {  	s14 =	rddreg [dreg:$0xf];
	[sflag:s18] =	ssyncadd.s32 $0xFFFFE000  }
0x44: {  	[hbm4b:s14+s3] =	stream.linear.scatter [tilespmem:s25], [sflag:$0x7], $0x4000, $0x38;
	[tilespmem:$0x15C00] =	vst v63  }
0x45: {  	_ =	swait.ge [sflag:s24], $0x2000  }
0x46: {  	[sflag:s24] =	ssyncset.done $0x0  }
0x47: {  	[sflag:s24] =	ssyncadd.s32 $0xFFFFE000  }
0x48: {  	_ =	swait.ge [sflag:s24], $0x2000  }
0x49: {  	[sflag:s24] =	ssyncset.done $0x0  }
0x4a: {  	s13 =	rddreg [dreg:$0xe];
	[sflag:s24] =	ssyncadd.s32 $0xFFFFE000  }
0x4b: {  	[hbm4b:s13+s3] =	stream.linear.scatter [tilespmem:s30], [sflag:$0x8], $0x4000, $0x38;
	[tilespmem:$0x15C00] =	vst v63  }
0x4c: {  	_ =	swait.ge [sflag:s29], $0x2000  }
0x4d: {  	[sflag:s29] =	ssyncset.done $0x0  }
0x4e: {  	[sflag:s29] =	ssyncadd.s32 $0xFFFFE000  }
0x4f: {  	_ =	swait.ge [sflag:s29], $0x2000  }
0x50: {  	[sflag:s29] =	ssyncset.done $0x0  }
0x51: {  	s15 =	rddreg [dreg:$0xd];
	[sflag:s29] =	ssyncadd.s32 $0xFFFFE000  }
0x52: {  	[hbm4b:s15+s3] =	stream.linear.scatter [tilespmem:s17], [sflag:$0x9], $0x4000, $0x38;
	[tilespmem:$0x15C00] =	vst v63  }
0x53: {  	_ =	swait.ge [sflag:s5], $0x2000  }
0x54: {  	[sflag:s5] =	ssyncset.done $0x0  }
0x55: {  	[sflag:s5] =	ssyncadd.s32 $0xFFFFE000  }
0x56: {  	_ =	swait.ge [sflag:s5], $0x2000  }
0x57: {  	[sflag:s5] =	ssyncset.done $0x0  }
0x58: {  	s10 =	rddreg [dreg:$0xc];
	[sflag:s5] =	ssyncadd.s32 $0xFFFFE000  }
0x59: {  	[hbm4b:s10+s3] =	stream.linear.scatter [tilespmem:s26], [sflag:$0xA], $0x4000, $0x38;
	[tilespmem:$0x15C00] =	vst v63  }
0x5a: {  	_ =	swait.ge [sflag:s6], $0x4000  }
0x5b: {  	[sflag:s6] =	ssyncset.done $0x0  }
0x5c: {  	s20 =	simm.s32 $0x280;
	[sflag:s6] =	ssyncadd.s32 $0xFFFFC000  }
0x5d: {  	[tilespmem:s22], [sflag:$0x1] =	stream.indirect.gather [hbm4b:s1+s21], $0x80, s20, s21, $0xb8;
	[tilespmem:$0x15C00] =	vst v63  }
0x5e: {  	s12 =	simm.s32 $0x2C0  }
0x5f: {  	[tilespmem:s23], [sflag:$0x1] =	stream.indirect.gather [hbm4b:s1+s21], $0x80, s12, s21, $0xb8;
	[tilespmem:$0x15C00] =	vst v63  }
0x60: {  	_ =	swait.ge [sflag:s7], $0x4000  }
0x61: {  	[sflag:s7] =	ssyncset.done $0x0  }
0x62: {  	s20 =	simm.s32 $0x300;
	[sflag:s7] =	ssyncadd.s32 $0xFFFFC000  }
0x63: {  	[tilespmem:s25], [sflag:$0x2] =	stream.indirect.gather [hbm4b:s1+s21], $0x80, s20, s21, $0xb8;
	[tilespmem:$0x15C00] =	vst v63  }
0x64: {  	s12 =	simm.s32 $0x340  }
0x65: {  	[tilespmem:s28], [sflag:$0x2] =	stream.indirect.gather [hbm4b:s1+s21], $0x80, s12, s21, $0xb8;
	[tilespmem:$0x15C00] =	vst v63  }
0x66: {  	_ =	swait.ge [sflag:s8], $0x4000  }
0x67: {  	[sflag:s8] =	ssyncset.done $0x0  }
0x68: {  	s20 =	simm.s32 $0x380;
	[sflag:s8] =	ssyncadd.s32 $0xFFFFC000  }
0x69: {  	[tilespmem:s30], [sflag:$0x3] =	stream.indirect.gather [hbm4b:s1+s21], $0x80, s20, s21, $0xb8;
	[tilespmem:$0x15C00] =	vst v63  }
0x6a: {  	s12 =	simm.s32 $0x3C0  }
0x6b: {  	[tilespmem:s0], [sflag:$0x3] =	stream.indirect.gather [hbm4b:s1+s21], $0x80, s12, s21, $0xb8;
	[tilespmem:$0x15C00] =	vst v63  }
0x6c: {  	_ =	swait.ge [sflag:s9], $0x4000  }
0x6d: {  	[sflag:s9] =	ssyncset.done $0x0  }
0x6e: {  	s20 =	simm.s32 $0x400;
	[sflag:s9] =	ssyncadd.s32 $0xFFFFC000  }
0x6f: {  	[tilespmem:s17], [sflag:$0x4] =	stream.indirect.gather [hbm4b:s1+s21], $0x80, s20, s21, $0xb8;
	[tilespmem:$0x15C00] =	vst v63  }
0x70: {  	s12 =	simm.s32 $0x440  }
0x71: {  	[tilespmem:s19], [sflag:$0x4] =	stream.indirect.gather [hbm4b:s1+s21], $0x80, s12, s21, $0xb8;
	[tilespmem:$0x15C00] =	vst v63  }
0x72: {  	s11 =	simm.s32 $0xA00;
	_ =	swait.ge [sflag:s4], $0x4000  }
0x73: {  	s13 =	sadd.s32 $0x50000, s13;
	s15 =	sadd.s32 $0x50000, s15;
	[sflag:s4] =	ssyncset.done $0x0  }
0x74: {  	s20 =	simm.s32 $0x480;
	s12 =	sadd.s32 $0x50000, s16;
	[sflag:s4] =	ssyncadd.s32 $0xFFFFC000  }
0x75: {  	[tilespmem:s26], [sflag:$0x5] =	stream.indirect.gather [hbm4b:s1+s21], $0x80, s20, s21, $0xb8;
	[tilespmem:$0x15C00] =	vst v63  }
0x76: {  	s16 =	simm.s32 $0x4C0;
	s20 =	sadd.s32 $0x50000, s14;
	s14 =	sadd.s32 $0x50000, s10  }
.LBB2_2:
0x77: {  	[tilespmem:s31], [sflag:$0x5] =	stream.indirect.gather [hbm4b:s1+s21], $0x80, s16, s21, $0xb8;
	[tilespmem:$0x15C00] =	vst v63  }
0x78: {  	s16 =	smov.u32 s11  }
0x79: {  	p0 =	sne.s32 s11, $0x5000;
	s11 =	sadd.s32 $0xA00, s11;
	_ =	swait.ge [sflag:s2], $0x2000  }
0x7a: {  	[sflag:s2] =	ssyncset.done $0x0  }
0x7b: {  	[sflag:s2] =	ssyncadd.s32 $0xFFFFE000  }
0x7c: {  	_ =	swait.ge [sflag:s2], $0x2000  }
0x7d: {  	[sflag:s2] =	ssyncset.done $0x0  }
0x7e: {  	[sflag:s2] =	ssyncadd.s32 $0xFFFFE000  }
0x7f: {  	[hbm4b:s12+s3] =	stream.linear.scatter [tilespmem:s22], [sflag:$0x6], $0x4000, $0x38;
	[tilespmem:$0x15C00] =	vst v63  }
0x80: {  	_ =	swait.ge [sflag:s18], $0x2000  }
0x81: {  	[sflag:s18] =	ssyncset.done $0x0  }
0x82: {  	[sflag:s18] =	ssyncadd.s32 $0xFFFFE000  }
0x83: {  	_ =	swait.ge [sflag:s18], $0x2000  }
0x84: {  	[sflag:s18] =	ssyncset.done $0x0  }
0x85: {  	[sflag:s18] =	ssyncadd.s32 $0xFFFFE000  }
0x86: {  	[hbm4b:s20+s3] =	stream.linear.scatter [tilespmem:s25], [sflag:$0x7], $0x4000, $0x38;
	[tilespmem:$0x15C00] =	vst v63  }
0x87: {  	_ =	swait.ge [sflag:s24], $0x2000  }
0x88: {  	[sflag:s24] =	ssyncset.done $0x0  }
0x89: {  	[sflag:s24] =	ssyncadd.s32 $0xFFFFE000  }
0x8a: {  	_ =	swait.ge [sflag:s24], $0x2000  }
0x8b: {  	[sflag:s24] =	ssyncset.done $0x0  }
0x8c: {  	[sflag:s24] =	ssyncadd.s32 $0xFFFFE000  }
0x8d: {  	[hbm4b:s13+s3] =	stream.linear.scatter [tilespmem:s30], [sflag:$0x8], $0x4000, $0x38;
	[tilespmem:$0x15C00] =	vst v63  }
0x8e: {  	_ =	swait.ge [sflag:s29], $0x2000  }
0x8f: {  	[sflag:s29] =	ssyncset.done $0x0  }
0x90: {  	[sflag:s29] =	ssyncadd.s32 $0xFFFFE000  }
0x91: {  	_ =	swait.ge [sflag:s29], $0x2000  }
0x92: {  	[sflag:s29] =	ssyncset.done $0x0  }
0x93: {  	[sflag:s29] =	ssyncadd.s32 $0xFFFFE000  }
0x94: {  	[hbm4b:s15+s3] =	stream.linear.scatter [tilespmem:s17], [sflag:$0x9], $0x4000, $0x38;
	[tilespmem:$0x15C00] =	vst v63  }
0x95: {  	_ =	swait.ge [sflag:s5], $0x2000  }
0x96: {  	[sflag:s5] =	ssyncset.done $0x0  }
0x97: {  	[sflag:s5] =	ssyncadd.s32 $0xFFFFE000  }
0x98: {  	_ =	swait.ge [sflag:s5], $0x2000  }
0x99: {  	[sflag:s5] =	ssyncset.done $0x0  }
0x9a: {  	[sflag:s5] =	ssyncadd.s32 $0xFFFFE000  }
0x9b: {  	[hbm4b:s14+s3] =	stream.linear.scatter [tilespmem:s26], [sflag:$0xA], $0x4000, $0x38;
	[tilespmem:$0x15C00] =	vst v63  }
0x9c: {  	_ =	swait.ge [sflag:s6], $0x4000  }
0x9d: {  	s16 =	sshra.s32 s16, $0x2;
	[sflag:s6] =	ssyncset.done $0x0  }
0x9e: {  	s10 =	sadd.s32 $0x280, s16;
	[sflag:s6] =	ssyncadd.s32 $0xFFFFC000  }
0x9f: {  	[tilespmem:s22], [sflag:$0x1] =	stream.indirect.gather [hbm4b:s1+s21], $0x80, s10, s21, $0xb8;
	[tilespmem:$0x15C00] =	vst v63  }
0xa0: {  	s10 =	sadd.s32 $0x2C0, s16  }
0xa1: {  	[tilespmem:s23], [sflag:$0x1] =	stream.indirect.gather [hbm4b:s1+s21], $0x80, s10, s21, $0xb8;
	[tilespmem:$0x15C00] =	vst v63  }
0xa2: {  	_ =	swait.ge [sflag:s7], $0x4000  }
0xa3: {  	[sflag:s7] =	ssyncset.done $0x0  }
0xa4: {  	s10 =	sadd.s32 $0x300, s16;
	[sflag:s7] =	ssyncadd.s32 $0xFFFFC000  }
0xa5: {  	[tilespmem:s25], [sflag:$0x2] =	stream.indirect.gather [hbm4b:s1+s21], $0x80, s10, s21, $0xb8;
	[tilespmem:$0x15C00] =	vst v63  }
0xa6: {  	s10 =	sadd.s32 $0x340, s16  }
0xa7: {  	[tilespmem:s28], [sflag:$0x2] =	stream.indirect.gather [hbm4b:s1+s21], $0x80, s10, s21, $0xb8;
	[tilespmem:$0x15C00] =	vst v63  }
0xa8: {  	_ =	swait.ge [sflag:s8], $0x4000  }
0xa9: {  	[sflag:s8] =	ssyncset.done $0x0  }
0xaa: {  	s10 =	sadd.s32 $0x380, s16;
	[sflag:s8] =	ssyncadd.s32 $0xFFFFC000  }
0xab: {  	[tilespmem:s30], [sflag:$0x3] =	stream.indirect.gather [hbm4b:s1+s21], $0x80, s10, s21, $0xb8;
	[tilespmem:$0x15C00] =	vst v63  }
0xac: {  	s10 =	sadd.s32 $0x3C0, s16  }
0xad: {  	[tilespmem:s0], [sflag:$0x3] =	stream.indirect.gather [hbm4b:s1+s21], $0x80, s10, s21, $0xb8;
	[tilespmem:$0x15C00] =	vst v63  }
0xae: {  	_ =	swait.ge [sflag:s9], $0x4000  }
0xaf: {  	[sflag:s9] =	ssyncset.done $0x0  }
0xb0: {  	s10 =	sadd.s32 $0x400, s16;
	[sflag:s9] =	ssyncadd.s32 $0xFFFFC000  }
0xb1: {  	[tilespmem:s17], [sflag:$0x4] =	stream.indirect.gather [hbm4b:s1+s21], $0x80, s10, s21, $0xb8;
	[tilespmem:$0x15C00] =	vst v63  }
0xb2: {  	s10 =	sadd.s32 $0x440, s16  }
0xb3: {  	[tilespmem:s19], [sflag:$0x4] =	stream.indirect.gather [hbm4b:s1+s21], $0x80, s10, s21, $0xb8;
	[tilespmem:$0x15C00] =	vst v63  }
.Ltmp0:
0xb4: {  	_ =	swait.ge [sflag:s4], $0x4000;
	(pc) =	sbr.rel @p0 .LBB2_2-.Ltmp0, $4  }
0xb5: {  	s12 =	sadd.s32 $0x50000, s12;
	s20 =	sadd.s32 $0x50000, s20;
	[sflag:s4] =	ssyncset.done $0x0  }
0xb6: {  	s13 =	sadd.s32 $0x50000, s13;
	s10 =	sadd.s32 $0x480, s16;
	[sflag:s4] =	ssyncadd.s32 $0xFFFFC000  }
0xb7: {  	[tilespmem:s26], [sflag:$0x5] =	stream.indirect.gather [hbm4b:s1+s21], $0x80, s10, s21, $0xb8;
	[tilespmem:$0x15C00] =	vst v63  }
0xb8: {  	s15 =	sadd.s32 $0x50000, s15;
	s14 =	sadd.s32 $0x50000, s14;
	s16 =	sadd.s32 $0x4C0, s16  }
0xb9: {  	[tilespmem:s31], [sflag:$0x5] =	stream.indirect.gather [hbm4b:s1+s21], $0x80, s16, s21, $0xb8;
	[tilespmem:$0x15C00] =	vst v63  }
0xba: {  	_ =	swait.ge [sflag:s2], $0x2000  }
0xbb: {  	[sflag:s2] =	ssyncset.done $0x0  }
0xbc: {  	[sflag:s2] =	ssyncadd.s32 $0xFFFFE000  }
0xbd: {  	_ =	swait.ge [sflag:s2], $0x2000  }
0xbe: {  	[sflag:s2] =	ssyncset.done $0x0  }
0xbf: {  	s10 =	rddreg [dreg:$0x6];
	[sflag:s2] =	ssyncadd.s32 $0xFFFFE000  }
0xc0: {  	[hbm4b:s10+s3] =	stream.linear.scatter [tilespmem:s22], [sflag:$0x6], $0x4000, $0x38;
	[tilespmem:$0x15C00] =	vst v63  }
0xc1: {  	_ =	swait.ge [sflag:s18], $0x2000  }
0xc2: {  	[sflag:s18] =	ssyncset.done $0x0  }
0xc3: {  	[sflag:s18] =	ssyncadd.s32 $0xFFFFE000  }
0xc4: {  	_ =	swait.ge [sflag:s18], $0x2000  }
0xc5: {  	[sflag:s18] =	ssyncset.done $0x0  }
0xc6: {  	s13 =	rddreg [dreg:$0x7];
	[sflag:s18] =	ssyncadd.s32 $0xFFFFE000  }
0xc7: {  	[hbm4b:s13+s3] =	stream.linear.scatter [tilespmem:s25], [sflag:$0x7], $0x4000, $0x38;
	[tilespmem:$0x15C00] =	vst v63  }
0xc8: {  	_ =	swait.ge [sflag:s24], $0x2000  }
0xc9: {  	[sflag:s24] =	ssyncset.done $0x0  }
0xca: {  	[sflag:s24] =	ssyncadd.s32 $0xFFFFE000  }
0xcb: {  	_ =	swait.ge [sflag:s24], $0x2000  }
0xcc: {  	[sflag:s24] =	ssyncset.done $0x0  }
0xcd: {  	s14 =	rddreg [dreg:$0x8];
	[sflag:s24] =	ssyncadd.s32 $0xFFFFE000  }
0xce: {  	[hbm4b:s14+s3] =	stream.linear.scatter [tilespmem:s30], [sflag:$0x8], $0x4000, $0x38;
	[tilespmem:$0x15C00] =	vst v63  }
0xcf: {  	_ =	swait.ge [sflag:s29], $0x2000  }
0xd0: {  	[sflag:s29] =	ssyncset.done $0x0  }
0xd1: {  	[sflag:s29] =	ssyncadd.s32 $0xFFFFE000  }
0xd2: {  	_ =	swait.ge [sflag:s29], $0x2000  }
0xd3: {  	[sflag:s29] =	ssyncset.done $0x0  }
0xd4: {  	s15 =	rddreg [dreg:$0x9];
	[sflag:s29] =	ssyncadd.s32 $0xFFFFE000  }
0xd5: {  	[hbm4b:s15+s3] =	stream.linear.scatter [tilespmem:s17], [sflag:$0x9], $0x4000, $0x38;
	[tilespmem:$0x15C00] =	vst v63  }
0xd6: {  	_ =	swait.ge [sflag:s5], $0x2000  }
0xd7: {  	[sflag:s5] =	ssyncset.done $0x0  }
0xd8: {  	[sflag:s5] =	ssyncadd.s32 $0xFFFFE000  }
0xd9: {  	_ =	swait.ge [sflag:s5], $0x2000  }
0xda: {  	[sflag:s5] =	ssyncset.done $0x0  }
0xdb: {  	s16 =	rddreg [dreg:$0xa];
	[sflag:s5] =	ssyncadd.s32 $0xFFFFE000  }
0xdc: {  	[hbm4b:s16+s3] =	stream.linear.scatter [tilespmem:s26], [sflag:$0xA], $0x4000, $0x38;
	[tilespmem:$0x15C00] =	vst v63  }
0xdd: {  	_ =	swait.ge [sflag:s6], $0x4000  }
0xde: {  	[sflag:s6] =	ssyncset.done $0x0  }
0xdf: {  	[sflag:s6] =	ssyncadd.s32 $0xFFFFC000  }
0xe0: {  	_ =	swait.ge [sflag:s7], $0x4000  }
0xe1: {  	[sflag:s7] =	ssyncset.done $0x0  }
0xe2: {  	[sflag:s7] =	ssyncadd.s32 $0xFFFFC000  }
0xe3: {  	_ =	swait.ge [sflag:s8], $0x4000  }
0xe4: {  	[sflag:s8] =	ssyncset.done $0x0  }
0xe5: {  	[sflag:s8] =	ssyncadd.s32 $0xFFFFC000  }
0xe6: {  	_ =	swait.ge [sflag:s9], $0x4000  }
0xe7: {  	[sflag:s9] =	ssyncset.done $0x0  }
0xe8: {  	[sflag:s9] =	ssyncadd.s32 $0xFFFFC000  }
0xe9: {  	_ =	swait.ge [sflag:s4], $0x4000  }
0xea: {  	s11 =	rddreg [dreg:$0x11]  }
0xeb: {  	s20 =	rddreg [dreg:$0xb];
	s11 =	sadd.s32 $0x1, s11  }
0xec: {  	p0 =	sne.s32 s11, s20  }
.Ltmp1:
0xed: {  	_ = 	snop;
	(pc) =	sbr.rel @p0 .LBB2_1-.Ltmp1, $3  }
0xee: {  	_ =	sdelay $0x1  }
0xef: {  	[sflag:s4] =	ssyncset.done $0x0  }
0xf0: {  	[sflag:s4] =	ssyncadd.s32 $0xFFFFC000  }
0xf1: {  	_ =	sfence.sel $0x180000  }
0xf2: {  	[bflag:$0x0] =	sbarrier.arrive $0xFFFF  }
0xf3: {  	_ =	strace $0x90000047  }
0xf4: {  	s0 =	stileid.u32;
	[bflag:$0x2] =	sbarrier.arrive $0xFFFF  }
0xf5: {  	p0 =	sne.s32 s0, $0x0;
	s0 =	rddreg [dreg:$0x3]  }
0xf6: {  	s0 =	sadd.s32 @!p0 $0x100000, s0  }
0xf7: {  	[sflag:s0] =	ssyncadd.tile.s32 @!p0 $0x1;
	_ =	shalt  }
.Lfunc_end2:
_tile_overlayer_lowered:
.L_overlay_start_2:
0xf8: {  	(tag) =	ssettag $0x2  }
0xf9: {  	s0 =	rddreg [dreg:$0x0];
	s2 =	stileid.u32  }
0xfa: {  	s1 =	rddreg [dreg:$0x1];
	p0 =	sne.s32 s2, $0x0  }
0xfb: {  	s3 =	rddreg [dreg:$0x2];
	[bflag:$0x3] =	sbarrier.arrive $0xFFFF;
	s2 =	simm.s32 @!p0 $0x1C0B  }
0xfc: {  	[timem:s3], [sflag:s2] =	dma.local @!p0 [hbm:s0], s1  }
0xfd: {  	s0 =	simm.s32 @!p0 $0xB  }
0xfe: {  	_ =	swait.ge @!p0 [sflag:s0], s1  }
0xff: {  	s1 =	ssub.s32 @!p0 $0x0, s1;
	[sflag:s0] =	ssyncset.done @!p0 $0x0  }
0x100: {  	[sflag:s0] =	ssyncadd.s32 @!p0 s1  }
0x101: {  	[bflag:$0x3] =	sbarrier.arrive $0xFFFF  }
0x102: {  	_ =	shalt  }

</sc_bundles>
